<compile_context>
chip_gen: v7x
topology: tpu7x:2x2x1
jax: 0.10.2.dev20260603
libtpu: 0.0.44.dev20260713+nightly
codegen_flags: <defaults>
</compile_context>

<pallas_src>
import functools

import jax
import jax.numpy as jnp
from jax import lax
from jax.experimental import pallas as pl
from jax.experimental.pallas import tpu as pltpu
from jax.experimental.pallas import tpu_sc as plsc

BATCH, SEQ, VOCAB, DIM = 4096, 200, 1000000, 32
NC, NS = 2, 16
NW = NC * NS
RPW = BATCH // NW
TPW = RPW * SEQ
LANES = 16
SROWS = 512
NSTR = TPW // SROWS
NBUF = 5
SLOTS = RPW + 8
CDIM = 16
RDIV_MUL, RDIV_SHIFT = 41944, 23


def _body(ids_hbm, mask_hbm, table_hbm, out_hbm, ids_sv, mask_sv, rows_v,
          sidx_v, ones_v, res_v, cnt_v, acc_sh, cacc_sh, *sems):
    lsem = sems[:NBUF]
    gsem = sems[NBUF:2 * NBUF]
    ssem = sems[2 * NBUF:]
    sid = lax.axis_index("s")
    wid = sid * NC + lax.axis_index("c")
    slot0 = sid * SLOTS
    slot0_v = jnp.full((LANES,), slot0, jnp.int32)
    trash_v = jnp.full((LANES,), slot0 + RPW, jnp.int32)
    iota = lax.iota(jnp.int32, LANES)
    ones = jnp.full((LANES,), 1.0, jnp.float32)

    def zrow(r, _):
        res_v[r, pl.ds(0, LANES)] = jnp.zeros((LANES,), jnp.float32)
        res_v[r, pl.ds(LANES, LANES)] = jnp.zeros((LANES,), jnp.float32)
        cnt_v[r, pl.ds(0, LANES)] = jnp.zeros((LANES,), jnp.float32)
        return 0

    lax.fori_loop(0, RPW, zrow, 0)

    def orow(r, _):
        ones_v[r, pl.ds(0, LANES)] = ones
        return 0

    lax.fori_loop(0, SROWS, orow, 0)
    pltpu.sync_copy(res_v, acc_sh.at[pl.ds(slot0, RPW)])
    pltpu.sync_copy(res_v.at[pl.ds(0, SLOTS - RPW)],
                    acc_sh.at[pl.ds(slot0 + RPW, SLOTS - RPW)])
    pltpu.sync_copy(cnt_v, cacc_sh.at[pl.ds(slot0, RPW)])
    pltpu.sync_copy(cnt_v.at[pl.ds(0, SLOTS - RPW)],
                    cacc_sh.at[pl.ds(slot0 + RPW, SLOTS - RPW)])

    def fire_load(i, b):
        pltpu.async_copy(ids_hbm.at[wid, i], ids_sv.at[b], lsem[b])
        pltpu.async_copy(mask_hbm.at[wid, i], mask_sv.at[b], lsem[b])

    def wait_load(i, b):
        pltpu.make_async_copy(ids_hbm.at[wid, i], ids_sv.at[b],
                              lsem[b]).wait()
        pltpu.make_async_copy(mask_hbm.at[wid, i], mask_sv.at[b],
                              lsem[b]).wait()

    def fire_gather(b):
        pltpu.async_copy(table_hbm.at[ids_sv.at[b]], rows_v.at[b], gsem[b])

    def wait_gather(b):
        pltpu.make_async_copy(table_hbm.at[ids_sv.at[b]], rows_v.at[b],
                              gsem[b]).wait()

    def fire_scatter(b):
        pass

    def wait_scatter(b):
        pass

    def build_sidx(i, b):
        g00 = i * SROWS

        def chunk(cc, _):
            co = cc * LANES
            m = mask_sv[b, pl.ds(co, LANES)]
            gv = jnp.full((LANES,), g00 + co) + iota
            rowv = (gv * RDIV_MUL) >> RDIV_SHIFT
            sidx_v[b, pl.ds(co, LANES)] = jnp.where(
                m > 0, slot0_v + rowv, trash_v)
            return 0

        lax.fori_loop(0, SROWS // LANES, chunk, 0)

    for b in range(3):
        fire_load(b, b)
    for b in range(2):
        wait_load(b, b)
        fire_gather(b)

    def ring(q, _):
        for b in range(NBUF):
            i = q * NBUF + b

            @pl.when(i >= 2)
            def _():
                wait_scatter((b + 3) % NBUF)

            @pl.when(i + 3 < NSTR)
            def _():
                fire_load(i + 3, (b + 3) % NBUF)

            @pl.when(i + 2 < NSTR)
            def _():
                wait_load(i + 2, (b + 2) % NBUF)
                fire_gather((b + 2) % NBUF)

            wait_gather(b)
            build_sidx(i, b)
            fire_scatter(b)
        return 0

    lax.fori_loop(0, NSTR // NBUF, ring, 0)
    for b in range(NBUF - 2, NBUF):
        wait_scatter(b)

    pltpu.sync_copy(acc_sh.at[pl.ds(slot0, RPW)], res_v)
    pltpu.sync_copy(cacc_sh.at[pl.ds(slot0, RPW)], cnt_v)

    def div_row(j, _):
        inv = 1.0 / cnt_v[j, pl.ds(0, LANES)]
        res_v[j, pl.ds(0, LANES)] = res_v[j, pl.ds(0, LANES)] * inv
        res_v[j, pl.ds(LANES, LANES)] = (
            res_v[j, pl.ds(LANES, LANES)] * inv)
        return 0

    lax.fori_loop(0, RPW, div_row, 0)
    pltpu.sync_copy(res_v, out_hbm.at[pl.ds(wid * RPW, RPW)])


@functools.partial(
    pl.kernel,
    out_type=jax.ShapeDtypeStruct((BATCH, DIM), jnp.float32),
    mesh=plsc.VectorSubcoreMesh(core_axis_name="c", subcore_axis_name="s",
                                num_cores=NC, num_subcores=NS),
    compiler_params=pltpu.CompilerParams(use_tc_tiling_on_sc=False),
    scratch_types=[
        pltpu.VMEM((NBUF, SROWS), jnp.int32),
        pltpu.VMEM((NBUF, SROWS), jnp.int32),
        pltpu.VMEM((NBUF, SROWS, DIM // 2), jnp.float32),
        pltpu.VMEM((NBUF, SROWS), jnp.int32),
        pltpu.VMEM((SROWS, CDIM), jnp.float32),
        pltpu.VMEM((RPW, DIM), jnp.float32),
        pltpu.VMEM((RPW, CDIM), jnp.float32),
        pltpu.VMEM_SHARED((NS * SLOTS, DIM), jnp.float32),
        pltpu.VMEM_SHARED((NS * SLOTS, CDIM), jnp.float32),
    ] + [pltpu.SemaphoreType.DMA] * (3 * NBUF),
)
def _encode(ids_hbm, mask_hbm, table_hbm, out_hbm, *refs):
    _body(ids_hbm, mask_hbm, table_hbm, out_hbm, *refs)


def kernel(input_ids, attention_mask, embedding_table):
    ids = (input_ids * 2).reshape(NW, NSTR, SROWS)
    mask = attention_mask.reshape(NW, NSTR, SROWS)
    table2 = embedding_table.reshape(VOCAB * 2, DIM // 2)
    return _encode(ids, mask, table2)

# --- scband reference (transcript-rebuilt; emitter-appended) ---
"""Pipeline reference for scband-transformer-embedding-encoder-26182120636542 (READ-ONLY COPY).

The authoritative reference and input builder live on the scoring server;
editing this copy changes nothing except your own understanding.
"""

import jax, jax.numpy as jnp
import numpy as np

BATCH = 4096
SEQ = 200
VOCAB = 1000000
DIM = 32

def setup_inputs(seed: int = 0) -> dict:
    key = jax.random.key(seed)
    k1, k2, k3 = jax.random.split(key, 3)
    input_ids = jax.random.randint(k1, (BATCH, SEQ), 0, VOCAB, dtype=jnp.int64) if jax.config.jax_enable_x64 else jax.random.randint(k1, (BATCH, SEQ), 0, VOCAB, dtype=jnp.int32)
    attention_mask = jax.random.randint(k2, (BATCH, SEQ), 0, 2, dtype=jnp.int32)
    embedding_table = jax.random.normal(k3, (VOCAB, DIM), dtype=jnp.float32) * 0.02
    return {"input_ids": input_ids, "attention_mask": attention_mask, "embedding_table": embedding_table}

def reference(input_ids, attention_mask, embedding_table):
    # tok_embs = self.embeddings(batch['input_ids'])  -> gather rows from table
    tok_embs = jnp.take(embedding_table, input_ids, axis=0)  # [B, S, D]
    mask = attention_mask.astype(tok_embs.dtype)             # [B, S]
    masked_emb = tok_embs * mask[..., None]                  # [B, S, D]
    n_masked = jnp.sum(mask, axis=-1, keepdims=True)         # [B, 1]
    mean_emb = jnp.sum(masked_emb, axis=-2) / n_masked       # [B, D]
    return mean_emb

if __name__ == "__main__":
    import jax
    _d = setup_inputs()
    print(jax.jit(kernel)(*tuple(_d.values())))

</pallas_src>

<mosaic_0001>
#map = affine_map<(d0, d1) -> (0, 0, 0)>
#map1 = affine_map<(d0, d1) -> (0, 0)>
module attributes {stable_mosaic.version = 14 : i64} {
  func.func @_encode(%arg0: i32, %arg1: i32, %arg2: memref<32x50x512xi32, #tpu.memory_space<hbm>>, %arg3: memref<32x50x512xi32, #tpu.memory_space<hbm>>, %arg4: memref<2000000x16xf32, #tpu.memory_space<hbm>>, %arg5: memref<4096x32xf32, #tpu.memory_space<hbm>>, %arg6: memref<5x512xi32, #tpu.memory_space<vmem>>, %arg7: memref<5x512xi32, #tpu.memory_space<vmem>>, %arg8: memref<5x512x16xf32, #tpu.memory_space<vmem>>, %arg9: memref<5x512xi32, #tpu.memory_space<vmem>>, %arg10: memref<512x16xf32, #tpu.memory_space<vmem>>, %arg11: memref<128x32xf32, #tpu.memory_space<vmem>>, %arg12: memref<128x16xf32, #tpu.memory_space<vmem>>, %arg13: memref<2176x32xf32, #tpu.memory_space<vmem_shared>>, %arg14: memref<2176x16xf32, #tpu.memory_space<vmem_shared>>, %arg15: memref<!tpu.dma_semaphore, #tpu.memory_space<semaphore_mem>>, %arg16: memref<!tpu.dma_semaphore, #tpu.memory_space<semaphore_mem>>, %arg17: memref<!tpu.dma_semaphore, #tpu.memory_space<semaphore_mem>>, %arg18: memref<!tpu.dma_semaphore, #tpu.memory_space<semaphore_mem>>, %arg19: memref<!tpu.dma_semaphore, #tpu.memory_space<semaphore_mem>>, %arg20: memref<!tpu.dma_semaphore, #tpu.memory_space<semaphore_mem>>, %arg21: memref<!tpu.dma_semaphore, #tpu.memory_space<semaphore_mem>>, %arg22: memref<!tpu.dma_semaphore, #tpu.memory_space<semaphore_mem>>, %arg23: memref<!tpu.dma_semaphore, #tpu.memory_space<semaphore_mem>>, %arg24: memref<!tpu.dma_semaphore, #tpu.memory_space<semaphore_mem>>, %arg25: memref<!tpu.dma_semaphore, #tpu.memory_space<semaphore_mem>>, %arg26: memref<!tpu.dma_semaphore, #tpu.memory_space<semaphore_mem>>, %arg27: memref<!tpu.dma_semaphore, #tpu.memory_space<semaphore_mem>>, %arg28: memref<!tpu.dma_semaphore, #tpu.memory_space<semaphore_mem>>, %arg29: memref<!tpu.dma_semaphore, #tpu.memory_space<semaphore_mem>>) attributes {dimension_semantics = [#tpu.dimension_semantics<core_parallel>, #tpu.dimension_semantics<subcore_parallel>], iteration_bounds = array<i64: 2, 16>, scalar_prefetch = 0 : i64, scratch_operands = 24 : i64, tpu.core_type = #tpu.core_type<sc_vector_subcore>, window_params = [{transform_indices = #map}, {transform_indices = #map}, {transform_indices = #map1}, {transform_indices = #map1}]} {
    %mul3A = arith.constant 2 : i32
    %mul3A_0 = arith.muli %arg1, %mul3A : i32
    %add3A = arith.addi %mul3A_0, %arg0 : i32
    %mul3A_1 = arith.constant 136 : i32
    %mul3A_2 = arith.muli %arg1, %mul3A_1 : i32
    %broadcast_in_dim3A = vector.broadcast %mul3A_2 : i32 to vector<16xi32>
    %add3A_3 = arith.constant 128 : i32
    %add3A_4 = arith.addi %mul3A_2, %add3A_3 : i32
    %broadcast_in_dim3A_5 = vector.broadcast %add3A_4 : i32 to vector<16xi32>
    %iota3A = tpu.iota {dimensions = array<i32: 0>} : vector<16xi32>
    %broadcast_in_dim3A_6 = arith.constant 1.000000e+00 : f32
    %broadcast_in_dim3A_7 = vector.broadcast %broadcast_in_dim3A_6 : f32 to vector<16xf32>
    %scan3A = arith.constant 0 : i32
    %scan3A_8 = arith.constant 0 : i32
    %scan3A_9 = arith.constant 128 : i32
    %scan3A_10 = arith.addi %scan3A_8, %scan3A_9 : i32
    %scan3A_11 = arith.constant 1 : i32
    %scan3A_12 = scf.for %scan3A_203 = %scan3A_8 to %scan3A_10 step %scan3A_11 iter_args(%scan3A_204 = %scan3A) -> (i32)  : i32 {
      %broadcast_in_dim3A_205 = arith.constant 0.000000e+00 : f32
      %broadcast_in_dim3A_206 = vector.broadcast %broadcast_in_dim3A_205 : f32 to vector<16xf32>
      %swap3A = arith.index_cast %scan3A_203 : i32 to index
      %swap3A_207 = arith.constant 0 : index
      %swap3A_208 = tpu.vector_load %arg11[%swap3A, %swap3A_207] {strides = array<i32>} : memref<128x32xf32, #tpu.memory_space<vmem>>, vector<1x16xf32>,
      %swap3A_209 = vector.shape_cast %swap3A_208 : vector<1x16xf32> to vector<16xf32>
      %swap3A_210 = vector.shape_cast %broadcast_in_dim3A_206 : vector<16xf32> to vector<1x16xf32>
      tpu.vector_store %arg11[%swap3A, %swap3A_207], %swap3A_210 {strides = array<i32>} : memref<128x32xf32, #tpu.memory_space<vmem>>, vector<1x16xf32>,
      %broadcast_in_dim3A_211 = arith.constant 0.000000e+00 : f32
      %broadcast_in_dim3A_212 = vector.broadcast %broadcast_in_dim3A_211 : f32 to vector<16xf32>
      %swap3A_213 = arith.index_cast %scan3A_203 : i32 to index
      %swap3A_214 = arith.constant 16 : index
      %swap3A_215 = tpu.vector_load %arg11[%swap3A_213, %swap3A_214] {strides = array<i32>} : memref<128x32xf32, #tpu.memory_space<vmem>>, vector<1x16xf32>,
      %swap3A_216 = vector.shape_cast %swap3A_215 : vector<1x16xf32> to vector<16xf32>
      %swap3A_217 = vector.shape_cast %broadcast_in_dim3A_212 : vector<16xf32> to vector<1x16xf32>
      tpu.vector_store %arg11[%swap3A_213, %swap3A_214], %swap3A_217 {strides = array<i32>} : memref<128x32xf32, #tpu.memory_space<vmem>>, vector<1x16xf32>,
      %broadcast_in_dim3A_218 = arith.constant 0.000000e+00 : f32
      %broadcast_in_dim3A_219 = vector.broadcast %broadcast_in_dim3A_218 : f32 to vector<16xf32>
      %swap3A_220 = arith.index_cast %scan3A_203 : i32 to index
      %swap3A_221 = arith.constant 0 : index
      %swap3A_222 = tpu.vector_load %arg12[%swap3A_220, %swap3A_221] {strides = array<i32>} : memref<128x16xf32, #tpu.memory_space<vmem>>, vector<1x16xf32>,
      %swap3A_223 = vector.shape_cast %swap3A_222 : vector<1x16xf32> to vector<16xf32>
      %swap3A_224 = vector.shape_cast %broadcast_in_dim3A_219 : vector<16xf32> to vector<1x16xf32>
      tpu.vector_store %arg12[%swap3A_220, %swap3A_221], %swap3A_224 {strides = array<i32>} : memref<128x16xf32, #tpu.memory_space<vmem>>, vector<1x16xf32>,
      %scan3A_225 = arith.constant 0 : i32
      scf.yield %scan3A_225 : i32
    }
    %scan3A_13 = arith.constant 128 : i32
    %scan3A_14 = arith.constant 0 : i32
    %scan3A_15 = arith.constant 0 : i32
    %scan3A_16 = arith.constant 512 : i32
    %scan3A_17 = arith.addi %scan3A_15, %scan3A_16 : i32
    %scan3A_18 = arith.constant 1 : i32
    %scan3A_19 = scf.for %scan3A_203 = %scan3A_15 to %scan3A_17 step %scan3A_18 iter_args(%scan3A_204 = %scan3A_14) -> (i32)  : i32 {
      %swap3A = arith.index_cast %scan3A_203 : i32 to index
      %swap3A_205 = arith.constant 0 : index
      %swap3A_206 = tpu.vector_load %arg10[%swap3A, %swap3A_205] {strides = array<i32>} : memref<512x16xf32, #tpu.memory_space<vmem>>, vector<1x16xf32>,
      %swap3A_207 = vector.shape_cast %swap3A_206 : vector<1x16xf32> to vector<16xf32>
      %swap3A_208 = vector.shape_cast %broadcast_in_dim3A_7 : vector<16xf32> to vector<1x16xf32>
      tpu.vector_store %arg10[%swap3A, %swap3A_205], %swap3A_208 {strides = array<i32>} : memref<512x16xf32, #tpu.memory_space<vmem>>, vector<1x16xf32>,
      %scan3A_209 = arith.constant 0 : i32
      scf.yield %scan3A_209 : i32
    }
    %scan3A_20 = arith.constant 512 : i32
    "tpu.region"() ({
      %run_scoped3A = tpu.sem_alloc : memref<!tpu.dma_semaphore, #tpu.memory_space<semaphore_mem>>
      %dma_start3A_203 = arith.constant 0 : i32
      %dma_start3A_204 = tpu.memref_slice %arg13[%mul3A_2, %dma_start3A_203] : memref<2176x32xf32, #tpu.memory_space<vmem_shared>> -> memref<128x32xf32, #tpu.memory_space<vmem_shared>>
      %dma_start3A_205 = arith.constant 0 : i32
      %dma_start3A_206 = tpu.memref_slice %arg13[%mul3A_2, %dma_start3A_205] : memref<2176x32xf32, #tpu.memory_space<vmem_shared>> -> memref<128x32xf32, #tpu.memory_space<vmem_shared>>
      tpu.enqueue_dma source(%arg11 : memref<128x32xf32, #tpu.memory_space<vmem>>) target(%dma_start3A_206 : memref<128x32xf32, #tpu.memory_space<vmem_shared>>) target_semaphore(%run_scoped3A : memref<!tpu.dma_semaphore, #tpu.memory_space<semaphore_mem>>)
      %dma_wait3A_207 = arith.constant 0 : i32
      %dma_wait3A_208 = tpu.memref_slice %arg13[%mul3A_2, %dma_wait3A_207] : memref<2176x32xf32, #tpu.memory_space<vmem_shared>> -> memref<128x32xf32, #tpu.memory_space<vmem_shared>>
      %dma_wait3A_209 = arith.constant 0 : i32
      %dma_wait3A_210 = tpu.memref_slice %arg13[%mul3A_2, %dma_wait3A_209] : memref<2176x32xf32, #tpu.memory_space<vmem_shared>> -> memref<128x32xf32, #tpu.memory_space<vmem_shared>>
      tpu.wait_dma2 semaphore(%run_scoped3A : memref<!tpu.dma_semaphore, #tpu.memory_space<semaphore_mem>>) src(%arg11 : memref<128x32xf32, #tpu.memory_space<vmem>>) dst(%dma_wait3A_210 : memref<128x32xf32, #tpu.memory_space<vmem_shared>>)
      tpu.yield
    }) : () -> ()
    %add3A_21 = arith.constant 128 : i32
    %add3A_22 = arith.addi %mul3A_2, %add3A_21 : i32
    "tpu.region"() ({
      %run_scoped3A = tpu.sem_alloc : memref<!tpu.dma_semaphore, #tpu.memory_space<semaphore_mem>>
      %dma_start3A_203 = arith.constant 0 : i32
      %dma_start3A_204 = arith.constant 0 : i32
      %dma_start3A_205 = tpu.memref_slice %arg11[%dma_start3A_203, %dma_start3A_204] : memref<128x32xf32, #tpu.memory_space<vmem>> -> memref<8x32xf32, #tpu.memory_space<vmem>>
      %dma_start3A_206 = arith.constant 0 : i32
      %dma_start3A_207 = tpu.memref_slice %arg13[%add3A_22, %dma_start3A_206] : memref<2176x32xf32, #tpu.memory_space<vmem_shared>> -> memref<8x32xf32, #tpu.memory_space<vmem_shared>>
      %dma_start3A_208 = arith.constant 0 : i32
      %dma_start3A_209 = tpu.memref_slice %arg13[%add3A_22, %dma_start3A_208] : memref<2176x32xf32, #tpu.memory_space<vmem_shared>> -> memref<8x32xf32, #tpu.memory_space<vmem_shared>>
      %dma_start3A_210 = arith.constant 0 : i32
      %dma_start3A_211 = arith.constant 0 : i32
      %dma_start3A_212 = tpu.memref_slice %arg11[%dma_start3A_210, %dma_start3A_211] : memref<128x32xf32, #tpu.memory_space<vmem>> -> memref<8x32xf32, #tpu.memory_space<vmem>>
      tpu.enqueue_dma source(%dma_start3A_212 : memref<8x32xf32, #tpu.memory_space<vmem>>) target(%dma_start3A_209 : memref<8x32xf32, #tpu.memory_space<vmem_shared>>) target_semaphore(%run_scoped3A : memref<!tpu.dma_semaphore, #tpu.memory_space<semaphore_mem>>)
      %dma_wait3A_213 = arith.constant 0 : i32
      %dma_wait3A_214 = arith.constant 0 : i32
      %dma_wait3A_215 = tpu.memref_slice %arg11[%dma_wait3A_213, %dma_wait3A_214] : memref<128x32xf32, #tpu.memory_space<vmem>> -> memref<8x32xf32, #tpu.memory_space<vmem>>
      %dma_wait3A_216 = arith.constant 0 : i32
      %dma_wait3A_217 = tpu.memref_slice %arg13[%add3A_22, %dma_wait3A_216] : memref<2176x32xf32, #tpu.memory_space<vmem_shared>> -> memref<8x32xf32, #tpu.memory_space<vmem_shared>>
      %dma_wait3A_218 = arith.constant 0 : i32
      %dma_wait3A_219 = tpu.memref_slice %arg13[%add3A_22, %dma_wait3A_218] : memref<2176x32xf32, #tpu.memory_space<vmem_shared>> -> memref<8x32xf32, #tpu.memory_space<vmem_shared>>
      %dma_wait3A_220 = arith.constant 0 : i32
      %dma_wait3A_221 = arith.constant 0 : i32
      %dma_wait3A_222 = tpu.memref_slice %arg11[%dma_wait3A_220, %dma_wait3A_221] : memref<128x32xf32, #tpu.memory_space<vmem>> -> memref<8x32xf32, #tpu.memory_space<vmem>>
      tpu.wait_dma2 semaphore(%run_scoped3A : memref<!tpu.dma_semaphore, #tpu.memory_space<semaphore_mem>>) src(%dma_wait3A_222 : memref<8x32xf32, #tpu.memory_space<vmem>>) dst(%dma_wait3A_219 : memref<8x32xf32, #tpu.memory_space<vmem_shared>>)
      tpu.yield
    }) : () -> ()
    "tpu.region"() ({
      %run_scoped3A = tpu.sem_alloc : memref<!tpu.dma_semaphore, #tpu.memory_space<semaphore_mem>>
      %dma_start3A_203 = arith.constant 0 : i32
      %dma_start3A_204 = tpu.memref_slice %arg14[%mul3A_2, %dma_start3A_203] : memref<2176x16xf32, #tpu.memory_space<vmem_shared>> -> memref<128x16xf32, #tpu.memory_space<vmem_shared>>
      %dma_start3A_205 = arith.constant 0 : i32
      %dma_start3A_206 = tpu.memref_slice %arg14[%mul3A_2, %dma_start3A_205] : memref<2176x16xf32, #tpu.memory_space<vmem_shared>> -> memref<128x16xf32, #tpu.memory_space<vmem_shared>>
      tpu.enqueue_dma source(%arg12 : memref<128x16xf32, #tpu.memory_space<vmem>>) target(%dma_start3A_206 : memref<128x16xf32, #tpu.memory_space<vmem_shared>>) target_semaphore(%run_scoped3A : memref<!tpu.dma_semaphore, #tpu.memory_space<semaphore_mem>>)
      %dma_wait3A_207 = arith.constant 0 : i32
      %dma_wait3A_208 = tpu.memref_slice %arg14[%mul3A_2, %dma_wait3A_207] : memref<2176x16xf32, #tpu.memory_space<vmem_shared>> -> memref<128x16xf32, #tpu.memory_space<vmem_shared>>
      %dma_wait3A_209 = arith.constant 0 : i32
      %dma_wait3A_210 = tpu.memref_slice %arg14[%mul3A_2, %dma_wait3A_209] : memref<2176x16xf32, #tpu.memory_space<vmem_shared>> -> memref<128x16xf32, #tpu.memory_space<vmem_shared>>
      tpu.wait_dma2 semaphore(%run_scoped3A : memref<!tpu.dma_semaphore, #tpu.memory_space<semaphore_mem>>) src(%arg12 : memref<128x16xf32, #tpu.memory_space<vmem>>) dst(%dma_wait3A_210 : memref<128x16xf32, #tpu.memory_space<vmem_shared>>)
      tpu.yield
    }) : () -> ()
    %add3A_23 = arith.constant 128 : i32
    %add3A_24 = arith.addi %mul3A_2, %add3A_23 : i32
    "tpu.region"() ({
      %run_scoped3A = tpu.sem_alloc : memref<!tpu.dma_semaphore, #tpu.memory_space<semaphore_mem>>
      %dma_start3A_203 = arith.constant 0 : i32
      %dma_start3A_204 = arith.constant 0 : i32
      %dma_start3A_205 = tpu.memref_slice %arg12[%dma_start3A_203, %dma_start3A_204] : memref<128x16xf32, #tpu.memory_space<vmem>> -> memref<8x16xf32, #tpu.memory_space<vmem>>
      %dma_start3A_206 = arith.constant 0 : i32
      %dma_start3A_207 = tpu.memref_slice %arg14[%add3A_24, %dma_start3A_206] : memref<2176x16xf32, #tpu.memory_space<vmem_shared>> -> memref<8x16xf32, #tpu.memory_space<vmem_shared>>
      %dma_start3A_208 = arith.constant 0 : i32
      %dma_start3A_209 = tpu.memref_slice %arg14[%add3A_24, %dma_start3A_208] : memref<2176x16xf32, #tpu.memory_space<vmem_shared>> -> memref<8x16xf32, #tpu.memory_space<vmem_shared>>
      %dma_start3A_210 = arith.constant 0 : i32
      %dma_start3A_211 = arith.constant 0 : i32
      %dma_start3A_212 = tpu.memref_slice %arg12[%dma_start3A_210, %dma_start3A_211] : memref<128x16xf32, #tpu.memory_space<vmem>> -> memref<8x16xf32, #tpu.memory_space<vmem>>
      tpu.enqueue_dma source(%dma_start3A_212 : memref<8x16xf32, #tpu.memory_space<vmem>>) target(%dma_start3A_209 : memref<8x16xf32, #tpu.memory_space<vmem_shared>>) target_semaphore(%run_scoped3A : memref<!tpu.dma_semaphore, #tpu.memory_space<semaphore_mem>>)
      %dma_wait3A_213 = arith.constant 0 : i32
      %dma_wait3A_214 = arith.constant 0 : i32
      %dma_wait3A_215 = tpu.memref_slice %arg12[%dma_wait3A_213, %dma_wait3A_214] : memref<128x16xf32, #tpu.memory_space<vmem>> -> memref<8x16xf32, #tpu.memory_space<vmem>>
      %dma_wait3A_216 = arith.constant 0 : i32
      %dma_wait3A_217 = tpu.memref_slice %arg14[%add3A_24, %dma_wait3A_216] : memref<2176x16xf32, #tpu.memory_space<vmem_shared>> -> memref<8x16xf32, #tpu.memory_space<vmem_shared>>
      %dma_wait3A_218 = arith.constant 0 : i32
      %dma_wait3A_219 = tpu.memref_slice %arg14[%add3A_24, %dma_wait3A_218] : memref<2176x16xf32, #tpu.memory_space<vmem_shared>> -> memref<8x16xf32, #tpu.memory_space<vmem_shared>>
      %dma_wait3A_220 = arith.constant 0 : i32
      %dma_wait3A_221 = arith.constant 0 : i32
      %dma_wait3A_222 = tpu.memref_slice %arg12[%dma_wait3A_220, %dma_wait3A_221] : memref<128x16xf32, #tpu.memory_space<vmem>> -> memref<8x16xf32, #tpu.memory_space<vmem>>
      tpu.wait_dma2 semaphore(%run_scoped3A : memref<!tpu.dma_semaphore, #tpu.memory_space<semaphore_mem>>) src(%dma_wait3A_222 : memref<8x16xf32, #tpu.memory_space<vmem>>) dst(%dma_wait3A_219 : memref<8x16xf32, #tpu.memory_space<vmem_shared>>)
      tpu.yield
    }) : () -> ()
    %dma_start3A = arith.constant 0 : i32
    %dma_start3A_25 = arith.constant 0 : i32
    %dma_start3A_26 = arith.constant 0 : i32
    %dma_start3A_27 = tpu.memref_slice %arg6[%dma_start3A_25, %dma_start3A_26] : memref<5x512xi32, #tpu.memory_space<vmem>> -> memref<1x512xi32, #tpu.memory_space<vmem>>
    %dma_start3A_28 = tpu.memref_squeeze %dma_start3A_27 : memref<1x512xi32, #tpu.memory_space<vmem>> -> memref<512xi32, #tpu.memory_space<vmem>>
    %dma_start3A_29 = arith.constant 0 : i32
    %dma_start3A_30 = tpu.memref_slice %arg2[%add3A, %dma_start3A, %dma_start3A_29] : memref<32x50x512xi32, #tpu.memory_space<hbm>> -> memref<1x1x512xi32, #tpu.memory_space<hbm>>
    %dma_start3A_31 = tpu.memref_squeeze %dma_start3A_30 : memref<1x1x512xi32, #tpu.memory_space<hbm>> -> memref<512xi32, #tpu.memory_space<hbm>>
    %dma_start3A_32 = arith.constant 0 : i32
    %dma_start3A_33 = tpu.memref_slice %arg6[%dma_start3A_25, %dma_start3A_32] : memref<5x512xi32, #tpu.memory_space<vmem>> -> memref<1x512xi32, #tpu.memory_space<vmem>>
    %dma_start3A_34 = tpu.memref_squeeze %dma_start3A_33 : memref<1x512xi32, #tpu.memory_space<vmem>> -> memref<512xi32, #tpu.memory_space<vmem>>
    %dma_start3A_35 = arith.constant 0 : i32
    %dma_start3A_36 = tpu.memref_slice %arg2[%add3A, %dma_start3A, %dma_start3A_35] : memref<32x50x512xi32, #tpu.memory_space<hbm>> -> memref<1x1x512xi32, #tpu.memory_space<hbm>>
    %dma_start3A_37 = tpu.memref_squeeze %dma_start3A_36 : memref<1x1x512xi32, #tpu.memory_space<hbm>> -> memref<512xi32, #tpu.memory_space<hbm>>
    tpu.enqueue_dma source(%dma_start3A_37 : memref<512xi32, #tpu.memory_space<hbm>>) target(%dma_start3A_34 : memref<512xi32, #tpu.memory_space<vmem>>) target_semaphore(%arg15 : memref<!tpu.dma_semaphore, #tpu.memory_space<semaphore_mem>>)
    %dma_start3A_38 = arith.constant 0 : i32
    %dma_start3A_39 = arith.constant 0 : i32
    %dma_start3A_40 = arith.constant 0 : i32
    %dma_start3A_41 = tpu.memref_slice %arg7[%dma_start3A_39, %dma_start3A_40] : memref<5x512xi32, #tpu.memory_space<vmem>> -> memref<1x512xi32, #tpu.memory_space<vmem>>
    %dma_start3A_42 = tpu.memref_squeeze %dma_start3A_41 : memref<1x512xi32, #tpu.memory_space<vmem>> -> memref<512xi32, #tpu.memory_space<vmem>>
    %dma_start3A_43 = arith.constant 0 : i32
    %dma_start3A_44 = tpu.memref_slice %arg3[%add3A, %dma_start3A_38, %dma_start3A_43] : memref<32x50x512xi32, #tpu.memory_space<hbm>> -> memref<1x1x512xi32, #tpu.memory_space<hbm>>
    %dma_start3A_45 = tpu.memref_squeeze %dma_start3A_44 : memref<1x1x512xi32, #tpu.memory_space<hbm>> -> memref<512xi32, #tpu.memory_space<hbm>>
    %dma_start3A_46 = arith.constant 0 : i32
    %dma_start3A_47 = tpu.memref_slice %arg7[%dma_start3A_39, %dma_start3A_46] : memref<5x512xi32, #tpu.memory_space<vmem>> -> memref<1x512xi32, #tpu.memory_space<vmem>>
    %dma_start3A_48 = tpu.memref_squeeze %dma_start3A_47 : memref<1x512xi32, #tpu.memory_space<vmem>> -> memref<512xi32, #tpu.memory_space<vmem>>
    %dma_start3A_49 = arith.constant 0 : i32
    %dma_start3A_50 = tpu.memref_slice %arg3[%add3A, %dma_start3A_38, %dma_start3A_49] : memref<32x50x512xi32, #tpu.memory_space<hbm>> -> memref<1x1x512xi32, #tpu.memory_space<hbm>>
    %dma_start3A_51 = tpu.memref_squeeze %dma_start3A_50 : memref<1x1x512xi32, #tpu.memory_space<hbm>> -> memref<512xi32, #tpu.memory_space<hbm>>
    tpu.enqueue_dma source(%dma_start3A_51 : memref<512xi32, #tpu.memory_space<hbm>>) target(%dma_start3A_48 : memref<512xi32, #tpu.memory_space<vmem>>) target_semaphore(%arg15 : memref<!tpu.dma_semaphore, #tpu.memory_space<semaphore_mem>>)
    %dma_start3A_52 = arith.constant 1 : i32
    %dma_start3A_53 = arith.constant 1 : i32
    %dma_start3A_54 = arith.constant 0 : i32
    %dma_start3A_55 = tpu.memref_slice %arg6[%dma_start3A_53, %dma_start3A_54] : memref<5x512xi32, #tpu.memory_space<vmem>> -> memref<1x512xi32, #tpu.memory_space<vmem>>
    %dma_start3A_56 = tpu.memref_squeeze %dma_start3A_55 : memref<1x512xi32, #tpu.memory_space<vmem>> -> memref<512xi32, #tpu.memory_space<vmem>>
    %dma_start3A_57 = arith.constant 0 : i32
    %dma_start3A_58 = tpu.memref_slice %arg2[%add3A, %dma_start3A_52, %dma_start3A_57] : memref<32x50x512xi32, #tpu.memory_space<hbm>> -> memref<1x1x512xi32, #tpu.memory_space<hbm>>
    %dma_start3A_59 = tpu.memref_squeeze %dma_start3A_58 : memref<1x1x512xi32, #tpu.memory_space<hbm>> -> memref<512xi32, #tpu.memory_space<hbm>>
    %dma_start3A_60 = arith.constant 0 : i32
    %dma_start3A_61 = tpu.memref_slice %arg6[%dma_start3A_53, %dma_start3A_60] : memref<5x512xi32, #tpu.memory_space<vmem>> -> memref<1x512xi32, #tpu.memory_space<vmem>>
    %dma_start3A_62 = tpu.memref_squeeze %dma_start3A_61 : memref<1x512xi32, #tpu.memory_space<vmem>> -> memref<512xi32, #tpu.memory_space<vmem>>
    %dma_start3A_63 = arith.constant 0 : i32
    %dma_start3A_64 = tpu.memref_slice %arg2[%add3A, %dma_start3A_52, %dma_start3A_63] : memref<32x50x512xi32, #tpu.memory_space<hbm>> -> memref<1x1x512xi32, #tpu.memory_space<hbm>>
    %dma_start3A_65 = tpu.memref_squeeze %dma_start3A_64 : memref<1x1x512xi32, #tpu.memory_space<hbm>> -> memref<512xi32, #tpu.memory_space<hbm>>
    tpu.enqueue_dma source(%dma_start3A_65 : memref<512xi32, #tpu.memory_space<hbm>>) target(%dma_start3A_62 : memref<512xi32, #tpu.memory_space<vmem>>) target_semaphore(%arg16 : memref<!tpu.dma_semaphore, #tpu.memory_space<semaphore_mem>>)
    %dma_start3A_66 = arith.constant 1 : i32
    %dma_start3A_67 = arith.constant 1 : i32
    %dma_start3A_68 = arith.constant 0 : i32
    %dma_start3A_69 = tpu.memref_slice %arg7[%dma_start3A_67, %dma_start3A_68] : memref<5x512xi32, #tpu.memory_space<vmem>> -> memref<1x512xi32, #tpu.memory_space<vmem>>
    %dma_start3A_70 = tpu.memref_squeeze %dma_start3A_69 : memref<1x512xi32, #tpu.memory_space<vmem>> -> memref<512xi32, #tpu.memory_space<vmem>>
    %dma_start3A_71 = arith.constant 0 : i32
    %dma_start3A_72 = tpu.memref_slice %arg3[%add3A, %dma_start3A_66, %dma_start3A_71] : memref<32x50x512xi32, #tpu.memory_space<hbm>> -> memref<1x1x512xi32, #tpu.memory_space<hbm>>
    %dma_start3A_73 = tpu.memref_squeeze %dma_start3A_72 : memref<1x1x512xi32, #tpu.memory_space<hbm>> -> memref<512xi32, #tpu.memory_space<hbm>>
    %dma_start3A_74 = arith.constant 0 : i32
    %dma_start3A_75 = tpu.memref_slice %arg7[%dma_start3A_67, %dma_start3A_74] : memref<5x512xi32, #tpu.memory_space<vmem>> -> memref<1x512xi32, #tpu.memory_space<vmem>>
    %dma_start3A_76 = tpu.memref_squeeze %dma_start3A_75 : memref<1x512xi32, #tpu.memory_space<vmem>> -> memref<512xi32, #tpu.memory_space<vmem>>
    %dma_start3A_77 = arith.constant 0 : i32
    %dma_start3A_78 = tpu.memref_slice %arg3[%add3A, %dma_start3A_66, %dma_start3A_77] : memref<32x50x512xi32, #tpu.memory_space<hbm>> -> memref<1x1x512xi32, #tpu.memory_space<hbm>>
    %dma_start3A_79 = tpu.memref_squeeze %dma_start3A_78 : memref<1x1x512xi32, #tpu.memory_space<hbm>> -> memref<512xi32, #tpu.memory_space<hbm>>
    tpu.enqueue_dma source(%dma_start3A_79 : memref<512xi32, #tpu.memory_space<hbm>>) target(%dma_start3A_76 : memref<512xi32, #tpu.memory_space<vmem>>) target_semaphore(%arg16 : memref<!tpu.dma_semaphore, #tpu.memory_space<semaphore_mem>>)
    %dma_start3A_80 = arith.constant 2 : i32
    %dma_start3A_81 = arith.constant 2 : i32
    %dma_start3A_82 = arith.constant 0 : i32
    %dma_start3A_83 = tpu.memref_slice %arg6[%dma_start3A_81, %dma_start3A_82] : memref<5x512xi32, #tpu.memory_space<vmem>> -> memref<1x512xi32, #tpu.memory_space<vmem>>
    %dma_start3A_84 = tpu.memref_squeeze %dma_start3A_83 : memref<1x512xi32, #tpu.memory_space<vmem>> -> memref<512xi32, #tpu.memory_space<vmem>>
    %dma_start3A_85 = arith.constant 0 : i32
    %dma_start3A_86 = tpu.memref_slice %arg2[%add3A, %dma_start3A_80, %dma_start3A_85] : memref<32x50x512xi32, #tpu.memory_space<hbm>> -> memref<1x1x512xi32, #tpu.memory_space<hbm>>
    %dma_start3A_87 = tpu.memref_squeeze %dma_start3A_86 : memref<1x1x512xi32, #tpu.memory_space<hbm>> -> memref<512xi32, #tpu.memory_space<hbm>>
    %dma_start3A_88 = arith.constant 0 : i32
    %dma_start3A_89 = tpu.memref_slice %arg6[%dma_start3A_81, %dma_start3A_88] : memref<5x512xi32, #tpu.memory_space<vmem>> -> memref<1x512xi32, #tpu.memory_space<vmem>>
    %dma_start3A_90 = tpu.memref_squeeze %dma_start3A_89 : memref<1x512xi32, #tpu.memory_space<vmem>> -> memref<512xi32, #tpu.memory_space<vmem>>
    %dma_start3A_91 = arith.constant 0 : i32
    %dma_start3A_92 = tpu.memref_slice %arg2[%add3A, %dma_start3A_80, %dma_start3A_91] : memref<32x50x512xi32, #tpu.memory_space<hbm>> -> memref<1x1x512xi32, #tpu.memory_space<hbm>>
    %dma_start3A_93 = tpu.memref_squeeze %dma_start3A_92 : memref<1x1x512xi32, #tpu.memory_space<hbm>> -> memref<512xi32, #tpu.memory_space<hbm>>
    tpu.enqueue_dma source(%dma_start3A_93 : memref<512xi32, #tpu.memory_space<hbm>>) target(%dma_start3A_90 : memref<512xi32, #tpu.memory_space<vmem>>) target_semaphore(%arg17 : memref<!tpu.dma_semaphore, #tpu.memory_space<semaphore_mem>>)
    %dma_start3A_94 = arith.constant 2 : i32
    %dma_start3A_95 = arith.constant 2 : i32
    %dma_start3A_96 = arith.constant 0 : i32
    %dma_start3A_97 = tpu.memref_slice %arg7[%dma_start3A_95, %dma_start3A_96] : memref<5x512xi32, #tpu.memory_space<vmem>> -> memref<1x512xi32, #tpu.memory_space<vmem>>
    %dma_start3A_98 = tpu.memref_squeeze %dma_start3A_97 : memref<1x512xi32, #tpu.memory_space<vmem>> -> memref<512xi32, #tpu.memory_space<vmem>>
    %dma_start3A_99 = arith.constant 0 : i32
    %dma_start3A_100 = tpu.memref_slice %arg3[%add3A, %dma_start3A_94, %dma_start3A_99] : memref<32x50x512xi32, #tpu.memory_space<hbm>> -> memref<1x1x512xi32, #tpu.memory_space<hbm>>
    %dma_start3A_101 = tpu.memref_squeeze %dma_start3A_100 : memref<1x1x512xi32, #tpu.memory_space<hbm>> -> memref<512xi32, #tpu.memory_space<hbm>>
    %dma_start3A_102 = arith.constant 0 : i32
    %dma_start3A_103 = tpu.memref_slice %arg7[%dma_start3A_95, %dma_start3A_102] : memref<5x512xi32, #tpu.memory_space<vmem>> -> memref<1x512xi32, #tpu.memory_space<vmem>>
    %dma_start3A_104 = tpu.memref_squeeze %dma_start3A_103 : memref<1x512xi32, #tpu.memory_space<vmem>> -> memref<512xi32, #tpu.memory_space<vmem>>
    %dma_start3A_105 = arith.constant 0 : i32
    %dma_start3A_106 = tpu.memref_slice %arg3[%add3A, %dma_start3A_94, %dma_start3A_105] : memref<32x50x512xi32, #tpu.memory_space<hbm>> -> memref<1x1x512xi32, #tpu.memory_space<hbm>>
    %dma_start3A_107 = tpu.memref_squeeze %dma_start3A_106 : memref<1x1x512xi32, #tpu.memory_space<hbm>> -> memref<512xi32, #tpu.memory_space<hbm>>
    tpu.enqueue_dma source(%dma_start3A_107 : memref<512xi32, #tpu.memory_space<hbm>>) target(%dma_start3A_104 : memref<512xi32, #tpu.memory_space<vmem>>) target_semaphore(%arg17 : memref<!tpu.dma_semaphore, #tpu.memory_space<semaphore_mem>>)
    %dma_wait3A = arith.constant 0 : i32
    %dma_wait3A_108 = arith.constant 0 : i32
    %dma_wait3A_109 = arith.constant 0 : i32
    %dma_wait3A_110 = tpu.memref_slice %arg6[%dma_wait3A_108, %dma_wait3A_109] : memref<5x512xi32, #tpu.memory_space<vmem>> -> memref<1x512xi32, #tpu.memory_space<vmem>>
    %dma_wait3A_111 = tpu.memref_squeeze %dma_wait3A_110 : memref<1x512xi32, #tpu.memory_space<vmem>> -> memref<512xi32, #tpu.memory_space<vmem>>
    %dma_wait3A_112 = arith.constant 0 : i32
    %dma_wait3A_113 = tpu.memref_slice %arg2[%add3A, %dma_wait3A, %dma_wait3A_112] : memref<32x50x512xi32, #tpu.memory_space<hbm>> -> memref<1x1x512xi32, #tpu.memory_space<hbm>>
    %dma_wait3A_114 = tpu.memref_squeeze %dma_wait3A_113 : memref<1x1x512xi32, #tpu.memory_space<hbm>> -> memref<512xi32, #tpu.memory_space<hbm>>
    %dma_wait3A_115 = arith.constant 0 : i32
    %dma_wait3A_116 = tpu.memref_slice %arg6[%dma_wait3A_108, %dma_wait3A_115] : memref<5x512xi32, #tpu.memory_space<vmem>> -> memref<1x512xi32, #tpu.memory_space<vmem>>
    %dma_wait3A_117 = tpu.memref_squeeze %dma_wait3A_116 : memref<1x512xi32, #tpu.memory_space<vmem>> -> memref<512xi32, #tpu.memory_space<vmem>>
    %dma_wait3A_118 = arith.constant 0 : i32
    %dma_wait3A_119 = tpu.memref_slice %arg2[%add3A, %dma_wait3A, %dma_wait3A_118] : memref<32x50x512xi32, #tpu.memory_space<hbm>> -> memref<1x1x512xi32, #tpu.memory_space<hbm>>
    %dma_wait3A_120 = tpu.memref_squeeze %dma_wait3A_119 : memref<1x1x512xi32, #tpu.memory_space<hbm>> -> memref<512xi32, #tpu.memory_space<hbm>>
    tpu.wait_dma2 semaphore(%arg15 : memref<!tpu.dma_semaphore, #tpu.memory_space<semaphore_mem>>) src(%dma_wait3A_120 : memref<512xi32, #tpu.memory_space<hbm>>) dst(%dma_wait3A_117 : memref<512xi32, #tpu.memory_space<vmem>>)
    %dma_wait3A_121 = arith.constant 0 : i32
    %dma_wait3A_122 = arith.constant 0 : i32
    %dma_wait3A_123 = arith.constant 0 : i32
    %dma_wait3A_124 = tpu.memref_slice %arg7[%dma_wait3A_122, %dma_wait3A_123] : memref<5x512xi32, #tpu.memory_space<vmem>> -> memref<1x512xi32, #tpu.memory_space<vmem>>
    %dma_wait3A_125 = tpu.memref_squeeze %dma_wait3A_124 : memref<1x512xi32, #tpu.memory_space<vmem>> -> memref<512xi32, #tpu.memory_space<vmem>>
    %dma_wait3A_126 = arith.constant 0 : i32
    %dma_wait3A_127 = tpu.memref_slice %arg3[%add3A, %dma_wait3A_121, %dma_wait3A_126] : memref<32x50x512xi32, #tpu.memory_space<hbm>> -> memref<1x1x512xi32, #tpu.memory_space<hbm>>
    %dma_wait3A_128 = tpu.memref_squeeze %dma_wait3A_127 : memref<1x1x512xi32, #tpu.memory_space<hbm>> -> memref<512xi32, #tpu.memory_space<hbm>>
    %dma_wait3A_129 = arith.constant 0 : i32
    %dma_wait3A_130 = tpu.memref_slice %arg7[%dma_wait3A_122, %dma_wait3A_129] : memref<5x512xi32, #tpu.memory_space<vmem>> -> memref<1x512xi32, #tpu.memory_space<vmem>>
    %dma_wait3A_131 = tpu.memref_squeeze %dma_wait3A_130 : memref<1x512xi32, #tpu.memory_space<vmem>> -> memref<512xi32, #tpu.memory_space<vmem>>
    %dma_wait3A_132 = arith.constant 0 : i32
    %dma_wait3A_133 = tpu.memref_slice %arg3[%add3A, %dma_wait3A_121, %dma_wait3A_132] : memref<32x50x512xi32, #tpu.memory_space<hbm>> -> memref<1x1x512xi32, #tpu.memory_space<hbm>>
    %dma_wait3A_134 = tpu.memref_squeeze %dma_wait3A_133 : memref<1x1x512xi32, #tpu.memory_space<hbm>> -> memref<512xi32, #tpu.memory_space<hbm>>
    tpu.wait_dma2 semaphore(%arg15 : memref<!tpu.dma_semaphore, #tpu.memory_space<semaphore_mem>>) src(%dma_wait3A_134 : memref<512xi32, #tpu.memory_space<hbm>>) dst(%dma_wait3A_131 : memref<512xi32, #tpu.memory_space<vmem>>)
    %dma_start3A_135 = arith.constant 0 : i32
    %dma_start3A_136 = arith.constant 0 : i32
    %dma_start3A_137 = arith.constant 0 : i32
    %dma_start3A_138 = arith.constant 0 : i32
    %dma_start3A_139 = tpu.memref_slice %arg8[%dma_start3A_136, %dma_start3A_137, %dma_start3A_138] : memref<5x512x16xf32, #tpu.memory_space<vmem>> -> memref<1x512x16xf32, #tpu.memory_space<vmem>>
    %dma_start3A_140 = tpu.memref_squeeze %dma_start3A_139 : memref<1x512x16xf32, #tpu.memory_space<vmem>> -> memref<512x16xf32, #tpu.memory_space<vmem>>
    %dma_start3A_141 = arith.constant 0 : i32
    %dma_start3A_142 = tpu.memref_slice %arg6[%dma_start3A_135, %dma_start3A_141] : memref<5x512xi32, #tpu.memory_space<vmem>> -> memref<1x512xi32, #tpu.memory_space<vmem>>
    %dma_start3A_143 = tpu.memref_squeeze %dma_start3A_142 : memref<1x512xi32, #tpu.memory_space<vmem>> -> memref<512xi32, #tpu.memory_space<vmem>>
    %dma_start3A_144 = arith.constant 0 : i32
    %dma_start3A_145 = arith.constant 0 : i32
    %dma_start3A_146 = tpu.memref_slice %arg4[%dma_start3A_144, %dma_start3A_145] : memref<2000000x16xf32, #tpu.memory_space<hbm>> -> memref<2000000x16xf32, #tpu.memory_space<hbm>>
    tpu.enqueue_indirect_dma source(%dma_start3A_146 : memref<2000000x16xf32, #tpu.memory_space<hbm>>) target(%dma_start3A_140 : memref<512x16xf32, #tpu.memory_space<vmem>>) offsets(%dma_start3A_143 : memref<512xi32, #tpu.memory_space<vmem>>) semaphore(%arg20 : memref<!tpu.dma_semaphore, #tpu.memory_space<semaphore_mem>>)
    %dma_wait3A_147 = arith.constant 1 : i32
    %dma_wait3A_148 = arith.constant 1 : i32
    %dma_wait3A_149 = arith.constant 0 : i32
    %dma_wait3A_150 = tpu.memref_slice %arg6[%dma_wait3A_148, %dma_wait3A_149] : memref<5x512xi32, #tpu.memory_space<vmem>> -> memref<1x512xi32, #tpu.memory_space<vmem>>
    %dma_wait3A_151 = tpu.memref_squeeze %dma_wait3A_150 : memref<1x512xi32, #tpu.memory_space<vmem>> -> memref<512xi32, #tpu.memory_space<vmem>>
    %dma_wait3A_152 = arith.constant 0 : i32
    %dma_wait3A_153 = tpu.memref_slice %arg2[%add3A, %dma_wait3A_147, %dma_wait3A_152] : memref<32x50x512xi32, #tpu.memory_space<hbm>> -> memref<1x1x512xi32, #tpu.memory_space<hbm>>
    %dma_wait3A_154 = tpu.memref_squeeze %dma_wait3A_153 : memref<1x1x512xi32, #tpu.memory_space<hbm>> -> memref<512xi32, #tpu.memory_space<hbm>>
    %dma_wait3A_155 = arith.constant 0 : i32
    %dma_wait3A_156 = tpu.memref_slice %arg6[%dma_wait3A_148, %dma_wait3A_155] : memref<5x512xi32, #tpu.memory_space<vmem>> -> memref<1x512xi32, #tpu.memory_space<vmem>>
    %dma_wait3A_157 = tpu.memref_squeeze %dma_wait3A_156 : memref<1x512xi32, #tpu.memory_space<vmem>> -> memref<512xi32, #tpu.memory_space<vmem>>
    %dma_wait3A_158 = arith.constant 0 : i32
    %dma_wait3A_159 = tpu.memref_slice %arg2[%add3A, %dma_wait3A_147, %dma_wait3A_158] : memref<32x50x512xi32, #tpu.memory_space<hbm>> -> memref<1x1x512xi32, #tpu.memory_space<hbm>>
    %dma_wait3A_160 = tpu.memref_squeeze %dma_wait3A_159 : memref<1x1x512xi32, #tpu.memory_space<hbm>> -> memref<512xi32, #tpu.memory_space<hbm>>
    tpu.wait_dma2 semaphore(%arg16 : memref<!tpu.dma_semaphore, #tpu.memory_space<semaphore_mem>>) src(%dma_wait3A_160 : memref<512xi32, #tpu.memory_space<hbm>>) dst(%dma_wait3A_157 : memref<512xi32, #tpu.memory_space<vmem>>)
    %dma_wait3A_161 = arith.constant 1 : i32
    %dma_wait3A_162 = arith.constant 1 : i32
    %dma_wait3A_163 = arith.constant 0 : i32
    %dma_wait3A_164 = tpu.memref_slice %arg7[%dma_wait3A_162, %dma_wait3A_163] : memref<5x512xi32, #tpu.memory_space<vmem>> -> memref<1x512xi32, #tpu.memory_space<vmem>>
    %dma_wait3A_165 = tpu.memref_squeeze %dma_wait3A_164 : memref<1x512xi32, #tpu.memory_space<vmem>> -> memref<512xi32, #tpu.memory_space<vmem>>
    %dma_wait3A_166 = arith.constant 0 : i32
    %dma_wait3A_167 = tpu.memref_slice %arg3[%add3A, %dma_wait3A_161, %dma_wait3A_166] : memref<32x50x512xi32, #tpu.memory_space<hbm>> -> memref<1x1x512xi32, #tpu.memory_space<hbm>>
    %dma_wait3A_168 = tpu.memref_squeeze %dma_wait3A_167 : memref<1x1x512xi32, #tpu.memory_space<hbm>> -> memref<512xi32, #tpu.memory_space<hbm>>
    %dma_wait3A_169 = arith.constant 0 : i32
    %dma_wait3A_170 = tpu.memref_slice %arg7[%dma_wait3A_162, %dma_wait3A_169] : memref<5x512xi32, #tpu.memory_space<vmem>> -> memref<1x512xi32, #tpu.memory_space<vmem>>
    %dma_wait3A_171 = tpu.memref_squeeze %dma_wait3A_170 : memref<1x512xi32, #tpu.memory_space<vmem>> -> memref<512xi32, #tpu.memory_space<vmem>>
    %dma_wait3A_172 = arith.constant 0 : i32
    %dma_wait3A_173 = tpu.memref_slice %arg3[%add3A, %dma_wait3A_161, %dma_wait3A_172] : memref<32x50x512xi32, #tpu.memory_space<hbm>> -> memref<1x1x512xi32, #tpu.memory_space<hbm>>
    %dma_wait3A_174 = tpu.memref_squeeze %dma_wait3A_173 : memref<1x1x512xi32, #tpu.memory_space<hbm>> -> memref<512xi32, #tpu.memory_space<hbm>>
    tpu.wait_dma2 semaphore(%arg16 : memref<!tpu.dma_semaphore, #tpu.memory_space<semaphore_mem>>) src(%dma_wait3A_174 : memref<512xi32, #tpu.memory_space<hbm>>) dst(%dma_wait3A_171 : memref<512xi32, #tpu.memory_space<vmem>>)
    %dma_start3A_175 = arith.constant 1 : i32
    %dma_start3A_176 = arith.constant 1 : i32
    %dma_start3A_177 = arith.constant 0 : i32
    %dma_start3A_178 = arith.constant 0 : i32
    %dma_start3A_179 = tpu.memref_slice %arg8[%dma_start3A_176, %dma_start3A_177, %dma_start3A_178] : memref<5x512x16xf32, #tpu.memory_space<vmem>> -> memref<1x512x16xf32, #tpu.memory_space<vmem>>
    %dma_start3A_180 = tpu.memref_squeeze %dma_start3A_179 : memref<1x512x16xf32, #tpu.memory_space<vmem>> -> memref<512x16xf32, #tpu.memory_space<vmem>>
    %dma_start3A_181 = arith.constant 0 : i32
    %dma_start3A_182 = tpu.memref_slice %arg6[%dma_start3A_175, %dma_start3A_181] : memref<5x512xi32, #tpu.memory_space<vmem>> -> memref<1x512xi32, #tpu.memory_space<vmem>>
    %dma_start3A_183 = tpu.memref_squeeze %dma_start3A_182 : memref<1x512xi32, #tpu.memory_space<vmem>> -> memref<512xi32, #tpu.memory_space<vmem>>
    %dma_start3A_184 = arith.constant 0 : i32
    %dma_start3A_185 = arith.constant 0 : i32
    %dma_start3A_186 = tpu.memref_slice %arg4[%dma_start3A_184, %dma_start3A_185] : memref<2000000x16xf32, #tpu.memory_space<hbm>> -> memref<2000000x16xf32, #tpu.memory_space<hbm>>
    tpu.enqueue_indirect_dma source(%dma_start3A_186 : memref<2000000x16xf32, #tpu.memory_space<hbm>>) target(%dma_start3A_180 : memref<512x16xf32, #tpu.memory_space<vmem>>) offsets(%dma_start3A_183 : memref<512xi32, #tpu.memory_space<vmem>>) semaphore(%arg21 : memref<!tpu.dma_semaphore, #tpu.memory_space<semaphore_mem>>)
    %scan3A_187 = arith.constant 0 : i32
    %scan3A_188 = arith.constant 0 : i32
    %scan3A_189 = arith.constant 10 : i32
    %scan3A_190 = arith.addi %scan3A_188, %scan3A_189 : i32
    %scan3A_191 = arith.constant 1 : i32
    %scan3A_192 = scf.for %scan3A_203 = %scan3A_188 to %scan3A_190 step %scan3A_191 iter_args(%scan3A_204 = %scan3A_187) -> (i32)  : i32 {
      %mul3A_205 = arith.constant 5 : i32
      %mul3A_206 = arith.muli %scan3A_203, %mul3A_205 : i32
      %add3A_207 = arith.constant 0 : i32
      %add3A_208 = arith.addi %mul3A_206, %add3A_207 : i32
      %ge3A = arith.constant 2 : i32
      %ge3A_209 = arith.cmpi sge, %add3A_208, %ge3A : i32
      %convert_element_type3A = arith.extui %ge3A_209 : i1 to i32
      %cond3A = arith.constant 0 : i32
      %cond3A_210 = arith.cmpi ne, %convert_element_type3A, %cond3A : i32
      scf.if %cond3A_210 {
      } else {
      }
      %add3A_211 = arith.constant 3 : i32
      %add3A_212 = arith.addi %add3A_208, %add3A_211 : i32
      %lt3A = arith.constant 50 : i32
      %lt3A_213 = arith.cmpi slt, %add3A_212, %lt3A : i32
      %convert_element_type3A_214 = arith.extui %lt3A_213 : i1 to i32
      %cond3A_215 = arith.constant 0 : i32
      %cond3A_216 = arith.cmpi ne, %convert_element_type3A_214, %cond3A_215 : i32
      scf.if %cond3A_216 {
        %add3A_422 = arith.constant 3 : i32
        %add3A_423 = arith.addi %add3A_208, %add3A_422 : i32
        %dma_start3A_424 = arith.constant 3 : i32
        %dma_start3A_425 = arith.constant 0 : i32
        %dma_start3A_426 = tpu.memref_slice %arg6[%dma_start3A_424, %dma_start3A_425] : memref<5x512xi32, #tpu.memory_space<vmem>> -> memref<1x512xi32, #tpu.memory_space<vmem>>
        %dma_start3A_427 = tpu.memref_squeeze %dma_start3A_426 : memref<1x512xi32, #tpu.memory_space<vmem>> -> memref<512xi32, #tpu.memory_space<vmem>>
        %dma_start3A_428 = arith.constant 0 : i32
        %dma_start3A_429 = tpu.memref_slice %arg2[%add3A, %add3A_423, %dma_start3A_428] : memref<32x50x512xi32, #tpu.memory_space<hbm>> -> memref<1x1x512xi32, #tpu.memory_space<hbm>>
        %dma_start3A_430 = tpu.memref_squeeze %dma_start3A_429 : memref<1x1x512xi32, #tpu.memory_space<hbm>> -> memref<512xi32, #tpu.memory_space<hbm>>
        %dma_start3A_431 = arith.constant 0 : i32
        %dma_start3A_432 = tpu.memref_slice %arg6[%dma_start3A_424, %dma_start3A_431] : memref<5x512xi32, #tpu.memory_space<vmem>> -> memref<1x512xi32, #tpu.memory_space<vmem>>
        %dma_start3A_433 = tpu.memref_squeeze %dma_start3A_432 : memref<1x512xi32, #tpu.memory_space<vmem>> -> memref<512xi32, #tpu.memory_space<vmem>>
        %dma_start3A_434 = arith.constant 0 : i32
        %dma_start3A_435 = tpu.memref_slice %arg2[%add3A, %add3A_423, %dma_start3A_434] : memref<32x50x512xi32, #tpu.memory_space<hbm>> -> memref<1x1x512xi32, #tpu.memory_space<hbm>>
        %dma_start3A_436 = tpu.memref_squeeze %dma_start3A_435 : memref<1x1x512xi32, #tpu.memory_space<hbm>> -> memref<512xi32, #tpu.memory_space<hbm>>
        tpu.enqueue_dma source(%dma_start3A_436 : memref<512xi32, #tpu.memory_space<hbm>>) target(%dma_start3A_433 : memref<512xi32, #tpu.memory_space<vmem>>) target_semaphore(%arg18 : memref<!tpu.dma_semaphore, #tpu.memory_space<semaphore_mem>>)
        %dma_start3A_437 = arith.constant 3 : i32
        %dma_start3A_438 = arith.constant 0 : i32
        %dma_start3A_439 = tpu.memref_slice %arg7[%dma_start3A_437, %dma_start3A_438] : memref<5x512xi32, #tpu.memory_space<vmem>> -> memref<1x512xi32, #tpu.memory_space<vmem>>
        %dma_start3A_440 = tpu.memref_squeeze %dma_start3A_439 : memref<1x512xi32, #tpu.memory_space<vmem>> -> memref<512xi32, #tpu.memory_space<vmem>>
        %dma_start3A_441 = arith.constant 0 : i32
        %dma_start3A_442 = tpu.memref_slice %arg3[%add3A, %add3A_423, %dma_start3A_441] : memref<32x50x512xi32, #tpu.memory_space<hbm>> -> memref<1x1x512xi32, #tpu.memory_space<hbm>>
        %dma_start3A_443 = tpu.memref_squeeze %dma_start3A_442 : memref<1x1x512xi32, #tpu.memory_space<hbm>> -> memref<512xi32, #tpu.memory_space<hbm>>
        %dma_start3A_444 = arith.constant 0 : i32
        %dma_start3A_445 = tpu.memref_slice %arg7[%dma_start3A_437, %dma_start3A_444] : memref<5x512xi32, #tpu.memory_space<vmem>> -> memref<1x512xi32, #tpu.memory_space<vmem>>
        %dma_start3A_446 = tpu.memref_squeeze %dma_start3A_445 : memref<1x512xi32, #tpu.memory_space<vmem>> -> memref<512xi32, #tpu.memory_space<vmem>>
        %dma_start3A_447 = arith.constant 0 : i32
        %dma_start3A_448 = tpu.memref_slice %arg3[%add3A, %add3A_423, %dma_start3A_447] : memref<32x50x512xi32, #tpu.memory_space<hbm>> -> memref<1x1x512xi32, #tpu.memory_space<hbm>>
        %dma_start3A_449 = tpu.memref_squeeze %dma_start3A_448 : memref<1x1x512xi32, #tpu.memory_space<hbm>> -> memref<512xi32, #tpu.memory_space<hbm>>
        tpu.enqueue_dma source(%dma_start3A_449 : memref<512xi32, #tpu.memory_space<hbm>>) target(%dma_start3A_446 : memref<512xi32, #tpu.memory_space<vmem>>) target_semaphore(%arg18 : memref<!tpu.dma_semaphore, #tpu.memory_space<semaphore_mem>>)
      } else {
      }
      %add3A_217 = arith.constant 2 : i32
      %add3A_218 = arith.addi %add3A_208, %add3A_217 : i32
      %lt3A_219 = arith.constant 50 : i32
      %lt3A_220 = arith.cmpi slt, %add3A_218, %lt3A_219 : i32
      %convert_element_type3A_221 = arith.extui %lt3A_220 : i1 to i32
      %cond3A_222 = arith.constant 0 : i32
      %cond3A_223 = arith.cmpi ne, %convert_element_type3A_221, %cond3A_222 : i32
      scf.if %cond3A_223 {
        %add3A_422 = arith.constant 2 : i32
        %add3A_423 = arith.addi %add3A_208, %add3A_422 : i32
        %dma_wait3A_424 = arith.constant 2 : i32
        %dma_wait3A_425 = arith.constant 0 : i32
        %dma_wait3A_426 = tpu.memref_slice %arg6[%dma_wait3A_424, %dma_wait3A_425] : memref<5x512xi32, #tpu.memory_space<vmem>> -> memref<1x512xi32, #tpu.memory_space<vmem>>
        %dma_wait3A_427 = tpu.memref_squeeze %dma_wait3A_426 : memref<1x512xi32, #tpu.memory_space<vmem>> -> memref<512xi32, #tpu.memory_space<vmem>>
        %dma_wait3A_428 = arith.constant 0 : i32
        %dma_wait3A_429 = tpu.memref_slice %arg2[%add3A, %add3A_423, %dma_wait3A_428] : memref<32x50x512xi32, #tpu.memory_space<hbm>> -> memref<1x1x512xi32, #tpu.memory_space<hbm>>
        %dma_wait3A_430 = tpu.memref_squeeze %dma_wait3A_429 : memref<1x1x512xi32, #tpu.memory_space<hbm>> -> memref<512xi32, #tpu.memory_space<hbm>>
        %dma_wait3A_431 = arith.constant 0 : i32
        %dma_wait3A_432 = tpu.memref_slice %arg6[%dma_wait3A_424, %dma_wait3A_431] : memref<5x512xi32, #tpu.memory_space<vmem>> -> memref<1x512xi32, #tpu.memory_space<vmem>>
        %dma_wait3A_433 = tpu.memref_squeeze %dma_wait3A_432 : memref<1x512xi32, #tpu.memory_space<vmem>> -> memref<512xi32, #tpu.memory_space<vmem>>
        %dma_wait3A_434 = arith.constant 0 : i32
        %dma_wait3A_435 = tpu.memref_slice %arg2[%add3A, %add3A_423, %dma_wait3A_434] : memref<32x50x512xi32, #tpu.memory_space<hbm>> -> memref<1x1x512xi32, #tpu.memory_space<hbm>>
        %dma_wait3A_436 = tpu.memref_squeeze %dma_wait3A_435 : memref<1x1x512xi32, #tpu.memory_space<hbm>> -> memref<512xi32, #tpu.memory_space<hbm>>
        tpu.wait_dma2 semaphore(%arg17 : memref<!tpu.dma_semaphore, #tpu.memory_space<semaphore_mem>>) src(%dma_wait3A_436 : memref<512xi32, #tpu.memory_space<hbm>>) dst(%dma_wait3A_433 : memref<512xi32, #tpu.memory_space<vmem>>)
        %dma_wait3A_437 = arith.constant 2 : i32
        %dma_wait3A_438 = arith.constant 0 : i32
        %dma_wait3A_439 = tpu.memref_slice %arg7[%dma_wait3A_437, %dma_wait3A_438] : memref<5x512xi32, #tpu.memory_space<vmem>> -> memref<1x512xi32, #tpu.memory_space<vmem>>
        %dma_wait3A_440 = tpu.memref_squeeze %dma_wait3A_439 : memref<1x512xi32, #tpu.memory_space<vmem>> -> memref<512xi32, #tpu.memory_space<vmem>>
        %dma_wait3A_441 = arith.constant 0 : i32
        %dma_wait3A_442 = tpu.memref_slice %arg3[%add3A, %add3A_423, %dma_wait3A_441] : memref<32x50x512xi32, #tpu.memory_space<hbm>> -> memref<1x1x512xi32, #tpu.memory_space<hbm>>
        %dma_wait3A_443 = tpu.memref_squeeze %dma_wait3A_442 : memref<1x1x512xi32, #tpu.memory_space<hbm>> -> memref<512xi32, #tpu.memory_space<hbm>>
        %dma_wait3A_444 = arith.constant 0 : i32
        %dma_wait3A_445 = tpu.memref_slice %arg7[%dma_wait3A_437, %dma_wait3A_444] : memref<5x512xi32, #tpu.memory_space<vmem>> -> memref<1x512xi32, #tpu.memory_space<vmem>>
        %dma_wait3A_446 = tpu.memref_squeeze %dma_wait3A_445 : memref<1x512xi32, #tpu.memory_space<vmem>> -> memref<512xi32, #tpu.memory_space<vmem>>
        %dma_wait3A_447 = arith.constant 0 : i32
        %dma_wait3A_448 = tpu.memref_slice %arg3[%add3A, %add3A_423, %dma_wait3A_447] : memref<32x50x512xi32, #tpu.memory_space<hbm>> -> memref<1x1x512xi32, #tpu.memory_space<hbm>>
        %dma_wait3A_449 = tpu.memref_squeeze %dma_wait3A_448 : memref<1x1x512xi32, #tpu.memory_space<hbm>> -> memref<512xi32, #tpu.memory_space<hbm>>
        tpu.wait_dma2 semaphore(%arg17 : memref<!tpu.dma_semaphore, #tpu.memory_space<semaphore_mem>>) src(%dma_wait3A_449 : memref<512xi32, #tpu.memory_space<hbm>>) dst(%dma_wait3A_446 : memref<512xi32, #tpu.memory_space<vmem>>)
        %dma_start3A_450 = arith.constant 2 : i32
        %dma_start3A_451 = arith.constant 2 : i32
        %dma_start3A_452 = arith.constant 0 : i32
        %dma_start3A_453 = arith.constant 0 : i32
        %dma_start3A_454 = tpu.memref_slice %arg8[%dma_start3A_451, %dma_start3A_452, %dma_start3A_453] : memref<5x512x16xf32, #tpu.memory_space<vmem>> -> memref<1x512x16xf32, #tpu.memory_space<vmem>>
        %dma_start3A_455 = tpu.memref_squeeze %dma_start3A_454 : memref<1x512x16xf32, #tpu.memory_space<vmem>> -> memref<512x16xf32, #tpu.memory_space<vmem>>
        %dma_start3A_456 = arith.constant 0 : i32
        %dma_start3A_457 = tpu.memref_slice %arg6[%dma_start3A_450, %dma_start3A_456] : memref<5x512xi32, #tpu.memory_space<vmem>> -> memref<1x512xi32, #tpu.memory_space<vmem>>
        %dma_start3A_458 = tpu.memref_squeeze %dma_start3A_457 : memref<1x512xi32, #tpu.memory_space<vmem>> -> memref<512xi32, #tpu.memory_space<vmem>>
        %dma_start3A_459 = arith.constant 0 : i32
        %dma_start3A_460 = arith.constant 0 : i32
        %dma_start3A_461 = tpu.memref_slice %arg4[%dma_start3A_459, %dma_start3A_460] : memref<2000000x16xf32, #tpu.memory_space<hbm>> -> memref<2000000x16xf32, #tpu.memory_space<hbm>>
        tpu.enqueue_indirect_dma source(%dma_start3A_461 : memref<2000000x16xf32, #tpu.memory_space<hbm>>) target(%dma_start3A_455 : memref<512x16xf32, #tpu.memory_space<vmem>>) offsets(%dma_start3A_458 : memref<512xi32, #tpu.memory_space<vmem>>) semaphore(%arg22 : memref<!tpu.dma_semaphore, #tpu.memory_space<semaphore_mem>>)
      } else {
      }
      %dma_wait3A_224 = arith.constant 0 : i32
      %dma_wait3A_225 = arith.constant 0 : i32
      %dma_wait3A_226 = arith.constant 0 : i32
      %dma_wait3A_227 = arith.constant 0 : i32
      %dma_wait3A_228 = tpu.memref_slice %arg8[%dma_wait3A_225, %dma_wait3A_226, %dma_wait3A_227] : memref<5x512x16xf32, #tpu.memory_space<vmem>> -> memref<1x512x16xf32, #tpu.memory_space<vmem>>
      %dma_wait3A_229 = tpu.memref_squeeze %dma_wait3A_228 : memref<1x512x16xf32, #tpu.memory_space<vmem>> -> memref<512x16xf32, #tpu.memory_space<vmem>>
      %dma_wait3A_230 = arith.constant 0 : i32
      %dma_wait3A_231 = tpu.memref_slice %arg6[%dma_wait3A_224, %dma_wait3A_230] : memref<5x512xi32, #tpu.memory_space<vmem>> -> memref<1x512xi32, #tpu.memory_space<vmem>>
      %dma_wait3A_232 = tpu.memref_squeeze %dma_wait3A_231 : memref<1x512xi32, #tpu.memory_space<vmem>> -> memref<512xi32, #tpu.memory_space<vmem>>
      %dma_wait3A_233 = arith.constant 0 : i32
      %dma_wait3A_234 = arith.constant 0 : i32
      %dma_wait3A_235 = tpu.memref_slice %arg4[%dma_wait3A_233, %dma_wait3A_234] : memref<2000000x16xf32, #tpu.memory_space<hbm>> -> memref<2000000x16xf32, #tpu.memory_space<hbm>>
      tpu.wait_indirect_dma semaphore(%arg20 : memref<!tpu.dma_semaphore, #tpu.memory_space<semaphore_mem>>) src(%dma_wait3A_235 : memref<2000000x16xf32, #tpu.memory_space<hbm>>) dst(%dma_wait3A_229 : memref<512x16xf32, #tpu.memory_space<vmem>>)
      %mul3A_236 = arith.constant 512 : i32
      %mul3A_237 = arith.muli %add3A_208, %mul3A_236 : i32
      %scan3A_238 = arith.constant 0 : i32
      %scan3A_239 = arith.constant 0 : i32
      %scan3A_240 = arith.constant 32 : i32
      %scan3A_241 = arith.addi %scan3A_239, %scan3A_240 : i32
      %scan3A_242 = arith.constant 1 : i32
      %scan3A_243 = scf.for %scan3A_422 = %scan3A_239 to %scan3A_241 step %scan3A_242 iter_args(%scan3A_423 = %scan3A_238) -> (i32)  : i32 {
        %mul3A_424 = arith.constant 16 : i32
        %mul3A_425 = arith.muli %scan3A_422, %mul3A_424 : i32
        %get3A = arith.constant 0 : i32
        %get3A_426 = arith.index_cast %get3A : i32 to index
        %get3A_427 = arith.index_cast %mul3A_425 : i32 to index
        %get3A_428 = tpu.vector_load %arg7[%get3A_426, %get3A_427] {strides = array<i32>} : memref<5x512xi32, #tpu.memory_space<vmem>>, vector<1x16xi32>,
        %get3A_429 = vector.shape_cast %get3A_428 : vector<1x16xi32> to vector<16xi32>
        %add3A_430 = arith.addi %mul3A_237, %mul3A_425 : i32
        %broadcast_in_dim3A_431 = vector.broadcast %add3A_430 : i32 to vector<16xi32>
        %add3A_432 = arith.addi %broadcast_in_dim3A_431, %iota3A : vector<16xi32>
        %mul3A_433 = arith.constant 41944 : i32
        %mul3A_434 = vector.broadcast %mul3A_433 : i32 to vector<16xi32>
        %mul3A_435 = arith.muli %add3A_432, %mul3A_434 : vector<16xi32>
        %shift_right_arithmetic3A = arith.constant 23 : i32
        %shift_right_arithmetic3A_436 = vector.broadcast %shift_right_arithmetic3A : i32 to vector<16xi32>
        %shift_right_arithmetic3A_437 = arith.shrsi %mul3A_435, %shift_right_arithmetic3A_436 : vector<16xi32>
        %gt3A = arith.constant 0 : i32
        %gt3A_438 = vector.broadcast %gt3A : i32 to vector<16xi32>
        %gt3A_439 = arith.cmpi sgt, %get3A_429, %gt3A_438 : vector<16xi32>
        %add3A_440 = arith.addi %broadcast_in_dim3A, %shift_right_arithmetic3A_437 : vector<16xi32>
        %select_n3A = arith.select %gt3A_439, %add3A_440, %broadcast_in_dim3A_5 : vector<16xi1>, vector<16xi32>
        %swap3A = arith.constant 0 : i32
        %swap3A_441 = arith.index_cast %swap3A : i32 to index
        %swap3A_442 = arith.index_cast %mul3A_425 : i32 to index
        %swap3A_443 = tpu.vector_load %arg9[%swap3A_441, %swap3A_442] {strides = array<i32>} : memref<5x512xi32, #tpu.memory_space<vmem>>, vector<1x16xi32>,
        %swap3A_444 = vector.shape_cast %swap3A_443 : vector<1x16xi32> to vector<16xi32>
        %swap3A_445 = vector.shape_cast %select_n3A : vector<16xi32> to vector<1x16xi32>
        tpu.vector_store %arg9[%swap3A_441, %swap3A_442], %swap3A_445 {strides = array<i32>} : memref<5x512xi32, #tpu.memory_space<vmem>>, vector<1x16xi32>,
        %scan3A_446 = arith.constant 0 : i32
        scf.yield %scan3A_446 : i32
      }
      %scan3A_244 = arith.constant 32 : i32
      %mul3A_245 = arith.constant 5 : i32
      %mul3A_246 = arith.muli %scan3A_203, %mul3A_245 : i32
      %add3A_247 = arith.constant 1 : i32
      %add3A_248 = arith.addi %mul3A_246, %add3A_247 : i32
      %ge3A_249 = arith.constant 2 : i32
      %ge3A_250 = arith.cmpi sge, %add3A_248, %ge3A_249 : i32
      %convert_element_type3A_251 = arith.extui %ge3A_250 : i1 to i32
      %cond3A_252 = arith.constant 0 : i32
      %cond3A_253 = arith.cmpi ne, %convert_element_type3A_251, %cond3A_252 : i32
      scf.if %cond3A_253 {
      } else {
      }
      %add3A_254 = arith.constant 3 : i32
      %add3A_255 = arith.addi %add3A_248, %add3A_254 : i32
      %lt3A_256 = arith.constant 50 : i32
      %lt3A_257 = arith.cmpi slt, %add3A_255, %lt3A_256 : i32
      %convert_element_type3A_258 = arith.extui %lt3A_257 : i1 to i32
      %cond3A_259 = arith.constant 0 : i32
      %cond3A_260 = arith.cmpi ne, %convert_element_type3A_258, %cond3A_259 : i32
      scf.if %cond3A_260 {
        %add3A_422 = arith.constant 3 : i32
        %add3A_423 = arith.addi %add3A_248, %add3A_422 : i32
        %dma_start3A_424 = arith.constant 4 : i32
        %dma_start3A_425 = arith.constant 0 : i32
        %dma_start3A_426 = tpu.memref_slice %arg6[%dma_start3A_424, %dma_start3A_425] : memref<5x512xi32, #tpu.memory_space<vmem>> -> memref<1x512xi32, #tpu.memory_space<vmem>>
        %dma_start3A_427 = tpu.memref_squeeze %dma_start3A_426 : memref<1x512xi32, #tpu.memory_space<vmem>> -> memref<512xi32, #tpu.memory_space<vmem>>
        %dma_start3A_428 = arith.constant 0 : i32
        %dma_start3A_429 = tpu.memref_slice %arg2[%add3A, %add3A_423, %dma_start3A_428] : memref<32x50x512xi32, #tpu.memory_space<hbm>> -> memref<1x1x512xi32, #tpu.memory_space<hbm>>
        %dma_start3A_430 = tpu.memref_squeeze %dma_start3A_429 : memref<1x1x512xi32, #tpu.memory_space<hbm>> -> memref<512xi32, #tpu.memory_space<hbm>>
        %dma_start3A_431 = arith.constant 0 : i32
        %dma_start3A_432 = tpu.memref_slice %arg6[%dma_start3A_424, %dma_start3A_431] : memref<5x512xi32, #tpu.memory_space<vmem>> -> memref<1x512xi32, #tpu.memory_space<vmem>>
        %dma_start3A_433 = tpu.memref_squeeze %dma_start3A_432 : memref<1x512xi32, #tpu.memory_space<vmem>> -> memref<512xi32, #tpu.memory_space<vmem>>
        %dma_start3A_434 = arith.constant 0 : i32
        %dma_start3A_435 = tpu.memref_slice %arg2[%add3A, %add3A_423, %dma_start3A_434] : memref<32x50x512xi32, #tpu.memory_space<hbm>> -> memref<1x1x512xi32, #tpu.memory_space<hbm>>
        %dma_start3A_436 = tpu.memref_squeeze %dma_start3A_435 : memref<1x1x512xi32, #tpu.memory_space<hbm>> -> memref<512xi32, #tpu.memory_space<hbm>>
        tpu.enqueue_dma source(%dma_start3A_436 : memref<512xi32, #tpu.memory_space<hbm>>) target(%dma_start3A_433 : memref<512xi32, #tpu.memory_space<vmem>>) target_semaphore(%arg19 : memref<!tpu.dma_semaphore, #tpu.memory_space<semaphore_mem>>)
        %dma_start3A_437 = arith.constant 4 : i32
        %dma_start3A_438 = arith.constant 0 : i32
        %dma_start3A_439 = tpu.memref_slice %arg7[%dma_start3A_437, %dma_start3A_438] : memref<5x512xi32, #tpu.memory_space<vmem>> -> memref<1x512xi32, #tpu.memory_space<vmem>>
        %dma_start3A_440 = tpu.memref_squeeze %dma_start3A_439 : memref<1x512xi32, #tpu.memory_space<vmem>> -> memref<512xi32, #tpu.memory_space<vmem>>
        %dma_start3A_441 = arith.constant 0 : i32
        %dma_start3A_442 = tpu.memref_slice %arg3[%add3A, %add3A_423, %dma_start3A_441] : memref<32x50x512xi32, #tpu.memory_space<hbm>> -> memref<1x1x512xi32, #tpu.memory_space<hbm>>
        %dma_start3A_443 = tpu.memref_squeeze %dma_start3A_442 : memref<1x1x512xi32, #tpu.memory_space<hbm>> -> memref<512xi32, #tpu.memory_space<hbm>>
        %dma_start3A_444 = arith.constant 0 : i32
        %dma_start3A_445 = tpu.memref_slice %arg7[%dma_start3A_437, %dma_start3A_444] : memref<5x512xi32, #tpu.memory_space<vmem>> -> memref<1x512xi32, #tpu.memory_space<vmem>>
        %dma_start3A_446 = tpu.memref_squeeze %dma_start3A_445 : memref<1x512xi32, #tpu.memory_space<vmem>> -> memref<512xi32, #tpu.memory_space<vmem>>
        %dma_start3A_447 = arith.constant 0 : i32
        %dma_start3A_448 = tpu.memref_slice %arg3[%add3A, %add3A_423, %dma_start3A_447] : memref<32x50x512xi32, #tpu.memory_space<hbm>> -> memref<1x1x512xi32, #tpu.memory_space<hbm>>
        %dma_start3A_449 = tpu.memref_squeeze %dma_start3A_448 : memref<1x1x512xi32, #tpu.memory_space<hbm>> -> memref<512xi32, #tpu.memory_space<hbm>>
        tpu.enqueue_dma source(%dma_start3A_449 : memref<512xi32, #tpu.memory_space<hbm>>) target(%dma_start3A_446 : memref<512xi32, #tpu.memory_space<vmem>>) target_semaphore(%arg19 : memref<!tpu.dma_semaphore, #tpu.memory_space<semaphore_mem>>)
      } else {
      }
      %add3A_261 = arith.constant 2 : i32
      %add3A_262 = arith.addi %add3A_248, %add3A_261 : i32
      %lt3A_263 = arith.constant 50 : i32
      %lt3A_264 = arith.cmpi slt, %add3A_262, %lt3A_263 : i32
      %convert_element_type3A_265 = arith.extui %lt3A_264 : i1 to i32
      %cond3A_266 = arith.constant 0 : i32
      %cond3A_267 = arith.cmpi ne, %convert_element_type3A_265, %cond3A_266 : i32
      scf.if %cond3A_267 {
        %add3A_422 = arith.constant 2 : i32
        %add3A_423 = arith.addi %add3A_248, %add3A_422 : i32
        %dma_wait3A_424 = arith.constant 3 : i32
        %dma_wait3A_425 = arith.constant 0 : i32
        %dma_wait3A_426 = tpu.memref_slice %arg6[%dma_wait3A_424, %dma_wait3A_425] : memref<5x512xi32, #tpu.memory_space<vmem>> -> memref<1x512xi32, #tpu.memory_space<vmem>>
        %dma_wait3A_427 = tpu.memref_squeeze %dma_wait3A_426 : memref<1x512xi32, #tpu.memory_space<vmem>> -> memref<512xi32, #tpu.memory_space<vmem>>
        %dma_wait3A_428 = arith.constant 0 : i32
        %dma_wait3A_429 = tpu.memref_slice %arg2[%add3A, %add3A_423, %dma_wait3A_428] : memref<32x50x512xi32, #tpu.memory_space<hbm>> -> memref<1x1x512xi32, #tpu.memory_space<hbm>>
        %dma_wait3A_430 = tpu.memref_squeeze %dma_wait3A_429 : memref<1x1x512xi32, #tpu.memory_space<hbm>> -> memref<512xi32, #tpu.memory_space<hbm>>
        %dma_wait3A_431 = arith.constant 0 : i32
        %dma_wait3A_432 = tpu.memref_slice %arg6[%dma_wait3A_424, %dma_wait3A_431] : memref<5x512xi32, #tpu.memory_space<vmem>> -> memref<1x512xi32, #tpu.memory_space<vmem>>
        %dma_wait3A_433 = tpu.memref_squeeze %dma_wait3A_432 : memref<1x512xi32, #tpu.memory_space<vmem>> -> memref<512xi32, #tpu.memory_space<vmem>>
        %dma_wait3A_434 = arith.constant 0 : i32
        %dma_wait3A_435 = tpu.memref_slice %arg2[%add3A, %add3A_423, %dma_wait3A_434] : memref<32x50x512xi32, #tpu.memory_space<hbm>> -> memref<1x1x512xi32, #tpu.memory_space<hbm>>
        %dma_wait3A_436 = tpu.memref_squeeze %dma_wait3A_435 : memref<1x1x512xi32, #tpu.memory_space<hbm>> -> memref<512xi32, #tpu.memory_space<hbm>>
        tpu.wait_dma2 semaphore(%arg18 : memref<!tpu.dma_semaphore, #tpu.memory_space<semaphore_mem>>) src(%dma_wait3A_436 : memref<512xi32, #tpu.memory_space<hbm>>) dst(%dma_wait3A_433 : memref<512xi32, #tpu.memory_space<vmem>>)
        %dma_wait3A_437 = arith.constant 3 : i32
        %dma_wait3A_438 = arith.constant 0 : i32
        %dma_wait3A_439 = tpu.memref_slice %arg7[%dma_wait3A_437, %dma_wait3A_438] : memref<5x512xi32, #tpu.memory_space<vmem>> -> memref<1x512xi32, #tpu.memory_space<vmem>>
        %dma_wait3A_440 = tpu.memref_squeeze %dma_wait3A_439 : memref<1x512xi32, #tpu.memory_space<vmem>> -> memref<512xi32, #tpu.memory_space<vmem>>
        %dma_wait3A_441 = arith.constant 0 : i32
        %dma_wait3A_442 = tpu.memref_slice %arg3[%add3A, %add3A_423, %dma_wait3A_441] : memref<32x50x512xi32, #tpu.memory_space<hbm>> -> memref<1x1x512xi32, #tpu.memory_space<hbm>>
        %dma_wait3A_443 = tpu.memref_squeeze %dma_wait3A_442 : memref<1x1x512xi32, #tpu.memory_space<hbm>> -> memref<512xi32, #tpu.memory_space<hbm>>
        %dma_wait3A_444 = arith.constant 0 : i32
        %dma_wait3A_445 = tpu.memref_slice %arg7[%dma_wait3A_437, %dma_wait3A_444] : memref<5x512xi32, #tpu.memory_space<vmem>> -> memref<1x512xi32, #tpu.memory_space<vmem>>
        %dma_wait3A_446 = tpu.memref_squeeze %dma_wait3A_445 : memref<1x512xi32, #tpu.memory_space<vmem>> -> memref<512xi32, #tpu.memory_space<vmem>>
        %dma_wait3A_447 = arith.constant 0 : i32
        %dma_wait3A_448 = tpu.memref_slice %arg3[%add3A, %add3A_423, %dma_wait3A_447] : memref<32x50x512xi32, #tpu.memory_space<hbm>> -> memref<1x1x512xi32, #tpu.memory_space<hbm>>
        %dma_wait3A_449 = tpu.memref_squeeze %dma_wait3A_448 : memref<1x1x512xi32, #tpu.memory_space<hbm>> -> memref<512xi32, #tpu.memory_space<hbm>>
        tpu.wait_dma2 semaphore(%arg18 : memref<!tpu.dma_semaphore, #tpu.memory_space<semaphore_mem>>) src(%dma_wait3A_449 : memref<512xi32, #tpu.memory_space<hbm>>) dst(%dma_wait3A_446 : memref<512xi32, #tpu.memory_space<vmem>>)
        %dma_start3A_450 = arith.constant 3 : i32
        %dma_start3A_451 = arith.constant 3 : i32
        %dma_start3A_452 = arith.constant 0 : i32
        %dma_start3A_453 = arith.constant 0 : i32
        %dma_start3A_454 = tpu.memref_slice %arg8[%dma_start3A_451, %dma_start3A_452, %dma_start3A_453] : memref<5x512x16xf32, #tpu.memory_space<vmem>> -> memref<1x512x16xf32, #tpu.memory_space<vmem>>
        %dma_start3A_455 = tpu.memref_squeeze %dma_start3A_454 : memref<1x512x16xf32, #tpu.memory_space<vmem>> -> memref<512x16xf32, #tpu.memory_space<vmem>>
        %dma_start3A_456 = arith.constant 0 : i32
        %dma_start3A_457 = tpu.memref_slice %arg6[%dma_start3A_450, %dma_start3A_456] : memref<5x512xi32, #tpu.memory_space<vmem>> -> memref<1x512xi32, #tpu.memory_space<vmem>>
        %dma_start3A_458 = tpu.memref_squeeze %dma_start3A_457 : memref<1x512xi32, #tpu.memory_space<vmem>> -> memref<512xi32, #tpu.memory_space<vmem>>
        %dma_start3A_459 = arith.constant 0 : i32
        %dma_start3A_460 = arith.constant 0 : i32
        %dma_start3A_461 = tpu.memref_slice %arg4[%dma_start3A_459, %dma_start3A_460] : memref<2000000x16xf32, #tpu.memory_space<hbm>> -> memref<2000000x16xf32, #tpu.memory_space<hbm>>
        tpu.enqueue_indirect_dma source(%dma_start3A_461 : memref<2000000x16xf32, #tpu.memory_space<hbm>>) target(%dma_start3A_455 : memref<512x16xf32, #tpu.memory_space<vmem>>) offsets(%dma_start3A_458 : memref<512xi32, #tpu.memory_space<vmem>>) semaphore(%arg23 : memref<!tpu.dma_semaphore, #tpu.memory_space<semaphore_mem>>)
      } else {
      }
      %dma_wait3A_268 = arith.constant 1 : i32
      %dma_wait3A_269 = arith.constant 1 : i32
      %dma_wait3A_270 = arith.constant 0 : i32
      %dma_wait3A_271 = arith.constant 0 : i32
      %dma_wait3A_272 = tpu.memref_slice %arg8[%dma_wait3A_269, %dma_wait3A_270, %dma_wait3A_271] : memref<5x512x16xf32, #tpu.memory_space<vmem>> -> memref<1x512x16xf32, #tpu.memory_space<vmem>>
      %dma_wait3A_273 = tpu.memref_squeeze %dma_wait3A_272 : memref<1x512x16xf32, #tpu.memory_space<vmem>> -> memref<512x16xf32, #tpu.memory_space<vmem>>
      %dma_wait3A_274 = arith.constant 0 : i32
      %dma_wait3A_275 = tpu.memref_slice %arg6[%dma_wait3A_268, %dma_wait3A_274] : memref<5x512xi32, #tpu.memory_space<vmem>> -> memref<1x512xi32, #tpu.memory_space<vmem>>
      %dma_wait3A_276 = tpu.memref_squeeze %dma_wait3A_275 : memref<1x512xi32, #tpu.memory_space<vmem>> -> memref<512xi32, #tpu.memory_space<vmem>>
      %dma_wait3A_277 = arith.constant 0 : i32
      %dma_wait3A_278 = arith.constant 0 : i32
      %dma_wait3A_279 = tpu.memref_slice %arg4[%dma_wait3A_277, %dma_wait3A_278] : memref<2000000x16xf32, #tpu.memory_space<hbm>> -> memref<2000000x16xf32, #tpu.memory_space<hbm>>
      tpu.wait_indirect_dma semaphore(%arg21 : memref<!tpu.dma_semaphore, #tpu.memory_space<semaphore_mem>>) src(%dma_wait3A_279 : memref<2000000x16xf32, #tpu.memory_space<hbm>>) dst(%dma_wait3A_273 : memref<512x16xf32, #tpu.memory_space<vmem>>)
      %mul3A_280 = arith.constant 512 : i32
      %mul3A_281 = arith.muli %add3A_248, %mul3A_280 : i32
      %scan3A_282 = arith.constant 0 : i32
      %scan3A_283 = arith.constant 0 : i32
      %scan3A_284 = arith.constant 32 : i32
      %scan3A_285 = arith.addi %scan3A_283, %scan3A_284 : i32
      %scan3A_286 = arith.constant 1 : i32
      %scan3A_287 = scf.for %scan3A_422 = %scan3A_283 to %scan3A_285 step %scan3A_286 iter_args(%scan3A_423 = %scan3A_282) -> (i32)  : i32 {
        %mul3A_424 = arith.constant 16 : i32
        %mul3A_425 = arith.muli %scan3A_422, %mul3A_424 : i32
        %get3A = arith.constant 1 : i32
        %get3A_426 = arith.index_cast %get3A : i32 to index
        %get3A_427 = arith.index_cast %mul3A_425 : i32 to index
        %get3A_428 = tpu.vector_load %arg7[%get3A_426, %get3A_427] {strides = array<i32>} : memref<5x512xi32, #tpu.memory_space<vmem>>, vector<1x16xi32>,
        %get3A_429 = vector.shape_cast %get3A_428 : vector<1x16xi32> to vector<16xi32>
        %add3A_430 = arith.addi %mul3A_281, %mul3A_425 : i32
        %broadcast_in_dim3A_431 = vector.broadcast %add3A_430 : i32 to vector<16xi32>
        %add3A_432 = arith.addi %broadcast_in_dim3A_431, %iota3A : vector<16xi32>
        %mul3A_433 = arith.constant 41944 : i32
        %mul3A_434 = vector.broadcast %mul3A_433 : i32 to vector<16xi32>
        %mul3A_435 = arith.muli %add3A_432, %mul3A_434 : vector<16xi32>
        %shift_right_arithmetic3A = arith.constant 23 : i32
        %shift_right_arithmetic3A_436 = vector.broadcast %shift_right_arithmetic3A : i32 to vector<16xi32>
        %shift_right_arithmetic3A_437 = arith.shrsi %mul3A_435, %shift_right_arithmetic3A_436 : vector<16xi32>
        %gt3A = arith.constant 0 : i32
        %gt3A_438 = vector.broadcast %gt3A : i32 to vector<16xi32>
        %gt3A_439 = arith.cmpi sgt, %get3A_429, %gt3A_438 : vector<16xi32>
        %add3A_440 = arith.addi %broadcast_in_dim3A, %shift_right_arithmetic3A_437 : vector<16xi32>
        %select_n3A = arith.select %gt3A_439, %add3A_440, %broadcast_in_dim3A_5 : vector<16xi1>, vector<16xi32>
        %swap3A = arith.constant 1 : i32
        %swap3A_441 = arith.index_cast %swap3A : i32 to index
        %swap3A_442 = arith.index_cast %mul3A_425 : i32 to index
        %swap3A_443 = tpu.vector_load %arg9[%swap3A_441, %swap3A_442] {strides = array<i32>} : memref<5x512xi32, #tpu.memory_space<vmem>>, vector<1x16xi32>,
        %swap3A_444 = vector.shape_cast %swap3A_443 : vector<1x16xi32> to vector<16xi32>
        %swap3A_445 = vector.shape_cast %select_n3A : vector<16xi32> to vector<1x16xi32>
        tpu.vector_store %arg9[%swap3A_441, %swap3A_442], %swap3A_445 {strides = array<i32>} : memref<5x512xi32, #tpu.memory_space<vmem>>, vector<1x16xi32>,
        %scan3A_446 = arith.constant 0 : i32
        scf.yield %scan3A_446 : i32
      }
      %scan3A_288 = arith.constant 32 : i32
      %mul3A_289 = arith.constant 5 : i32
      %mul3A_290 = arith.muli %scan3A_203, %mul3A_289 : i32
      %add3A_291 = arith.constant 2 : i32
      %add3A_292 = arith.addi %mul3A_290, %add3A_291 : i32
      %ge3A_293 = arith.constant 2 : i32
      %ge3A_294 = arith.cmpi sge, %add3A_292, %ge3A_293 : i32
      %convert_element_type3A_295 = arith.extui %ge3A_294 : i1 to i32
      %cond3A_296 = arith.constant 0 : i32
      %cond3A_297 = arith.cmpi ne, %convert_element_type3A_295, %cond3A_296 : i32
      scf.if %cond3A_297 {
      } else {
      }
      %add3A_298 = arith.constant 3 : i32
      %add3A_299 = arith.addi %add3A_292, %add3A_298 : i32
      %lt3A_300 = arith.constant 50 : i32
      %lt3A_301 = arith.cmpi slt, %add3A_299, %lt3A_300 : i32
      %convert_element_type3A_302 = arith.extui %lt3A_301 : i1 to i32
      %cond3A_303 = arith.constant 0 : i32
      %cond3A_304 = arith.cmpi ne, %convert_element_type3A_302, %cond3A_303 : i32
      scf.if %cond3A_304 {
        %add3A_422 = arith.constant 3 : i32
        %add3A_423 = arith.addi %add3A_292, %add3A_422 : i32
        %dma_start3A_424 = arith.constant 0 : i32
        %dma_start3A_425 = arith.constant 0 : i32
        %dma_start3A_426 = tpu.memref_slice %arg6[%dma_start3A_424, %dma_start3A_425] : memref<5x512xi32, #tpu.memory_space<vmem>> -> memref<1x512xi32, #tpu.memory_space<vmem>>
        %dma_start3A_427 = tpu.memref_squeeze %dma_start3A_426 : memref<1x512xi32, #tpu.memory_space<vmem>> -> memref<512xi32, #tpu.memory_space<vmem>>
        %dma_start3A_428 = arith.constant 0 : i32
        %dma_start3A_429 = tpu.memref_slice %arg2[%add3A, %add3A_423, %dma_start3A_428] : memref<32x50x512xi32, #tpu.memory_space<hbm>> -> memref<1x1x512xi32, #tpu.memory_space<hbm>>
        %dma_start3A_430 = tpu.memref_squeeze %dma_start3A_429 : memref<1x1x512xi32, #tpu.memory_space<hbm>> -> memref<512xi32, #tpu.memory_space<hbm>>
        %dma_start3A_431 = arith.constant 0 : i32
        %dma_start3A_432 = tpu.memref_slice %arg6[%dma_start3A_424, %dma_start3A_431] : memref<5x512xi32, #tpu.memory_space<vmem>> -> memref<1x512xi32, #tpu.memory_space<vmem>>
        %dma_start3A_433 = tpu.memref_squeeze %dma_start3A_432 : memref<1x512xi32, #tpu.memory_space<vmem>> -> memref<512xi32, #tpu.memory_space<vmem>>
        %dma_start3A_434 = arith.constant 0 : i32
        %dma_start3A_435 = tpu.memref_slice %arg2[%add3A, %add3A_423, %dma_start3A_434] : memref<32x50x512xi32, #tpu.memory_space<hbm>> -> memref<1x1x512xi32, #tpu.memory_space<hbm>>
        %dma_start3A_436 = tpu.memref_squeeze %dma_start3A_435 : memref<1x1x512xi32, #tpu.memory_space<hbm>> -> memref<512xi32, #tpu.memory_space<hbm>>
        tpu.enqueue_dma source(%dma_start3A_436 : memref<512xi32, #tpu.memory_space<hbm>>) target(%dma_start3A_433 : memref<512xi32, #tpu.memory_space<vmem>>) target_semaphore(%arg15 : memref<!tpu.dma_semaphore, #tpu.memory_space<semaphore_mem>>)
        %dma_start3A_437 = arith.constant 0 : i32
        %dma_start3A_438 = arith.constant 0 : i32
        %dma_start3A_439 = tpu.memref_slice %arg7[%dma_start3A_437, %dma_start3A_438] : memref<5x512xi32, #tpu.memory_space<vmem>> -> memref<1x512xi32, #tpu.memory_space<vmem>>
        %dma_start3A_440 = tpu.memref_squeeze %dma_start3A_439 : memref<1x512xi32, #tpu.memory_space<vmem>> -> memref<512xi32, #tpu.memory_space<vmem>>
        %dma_start3A_441 = arith.constant 0 : i32
        %dma_start3A_442 = tpu.memref_slice %arg3[%add3A, %add3A_423, %dma_start3A_441] : memref<32x50x512xi32, #tpu.memory_space<hbm>> -> memref<1x1x512xi32, #tpu.memory_space<hbm>>
        %dma_start3A_443 = tpu.memref_squeeze %dma_start3A_442 : memref<1x1x512xi32, #tpu.memory_space<hbm>> -> memref<512xi32, #tpu.memory_space<hbm>>
        %dma_start3A_444 = arith.constant 0 : i32
        %dma_start3A_445 = tpu.memref_slice %arg7[%dma_start3A_437, %dma_start3A_444] : memref<5x512xi32, #tpu.memory_space<vmem>> -> memref<1x512xi32, #tpu.memory_space<vmem>>
        %dma_start3A_446 = tpu.memref_squeeze %dma_start3A_445 : memref<1x512xi32, #tpu.memory_space<vmem>> -> memref<512xi32, #tpu.memory_space<vmem>>
        %dma_start3A_447 = arith.constant 0 : i32
        %dma_start3A_448 = tpu.memref_slice %arg3[%add3A, %add3A_423, %dma_start3A_447] : memref<32x50x512xi32, #tpu.memory_space<hbm>> -> memref<1x1x512xi32, #tpu.memory_space<hbm>>
        %dma_start3A_449 = tpu.memref_squeeze %dma_start3A_448 : memref<1x1x512xi32, #tpu.memory_space<hbm>> -> memref<512xi32, #tpu.memory_space<hbm>>
        tpu.enqueue_dma source(%dma_start3A_449 : memref<512xi32, #tpu.memory_space<hbm>>) target(%dma_start3A_446 : memref<512xi32, #tpu.memory_space<vmem>>) target_semaphore(%arg15 : memref<!tpu.dma_semaphore, #tpu.memory_space<semaphore_mem>>)
      } else {
      }
      %add3A_305 = arith.constant 2 : i32
      %add3A_306 = arith.addi %add3A_292, %add3A_305 : i32
      %lt3A_307 = arith.constant 50 : i32
      %lt3A_308 = arith.cmpi slt, %add3A_306, %lt3A_307 : i32
      %convert_element_type3A_309 = arith.extui %lt3A_308 : i1 to i32
      %cond3A_310 = arith.constant 0 : i32
      %cond3A_311 = arith.cmpi ne, %convert_element_type3A_309, %cond3A_310 : i32
      scf.if %cond3A_311 {
        %add3A_422 = arith.constant 2 : i32
        %add3A_423 = arith.addi %add3A_292, %add3A_422 : i32
        %dma_wait3A_424 = arith.constant 4 : i32
        %dma_wait3A_425 = arith.constant 0 : i32
        %dma_wait3A_426 = tpu.memref_slice %arg6[%dma_wait3A_424, %dma_wait3A_425] : memref<5x512xi32, #tpu.memory_space<vmem>> -> memref<1x512xi32, #tpu.memory_space<vmem>>
        %dma_wait3A_427 = tpu.memref_squeeze %dma_wait3A_426 : memref<1x512xi32, #tpu.memory_space<vmem>> -> memref<512xi32, #tpu.memory_space<vmem>>
        %dma_wait3A_428 = arith.constant 0 : i32
        %dma_wait3A_429 = tpu.memref_slice %arg2[%add3A, %add3A_423, %dma_wait3A_428] : memref<32x50x512xi32, #tpu.memory_space<hbm>> -> memref<1x1x512xi32, #tpu.memory_space<hbm>>
        %dma_wait3A_430 = tpu.memref_squeeze %dma_wait3A_429 : memref<1x1x512xi32, #tpu.memory_space<hbm>> -> memref<512xi32, #tpu.memory_space<hbm>>
        %dma_wait3A_431 = arith.constant 0 : i32
        %dma_wait3A_432 = tpu.memref_slice %arg6[%dma_wait3A_424, %dma_wait3A_431] : memref<5x512xi32, #tpu.memory_space<vmem>> -> memref<1x512xi32, #tpu.memory_space<vmem>>
        %dma_wait3A_433 = tpu.memref_squeeze %dma_wait3A_432 : memref<1x512xi32, #tpu.memory_space<vmem>> -> memref<512xi32, #tpu.memory_space<vmem>>
        %dma_wait3A_434 = arith.constant 0 : i32
        %dma_wait3A_435 = tpu.memref_slice %arg2[%add3A, %add3A_423, %dma_wait3A_434] : memref<32x50x512xi32, #tpu.memory_space<hbm>> -> memref<1x1x512xi32, #tpu.memory_space<hbm>>
        %dma_wait3A_436 = tpu.memref_squeeze %dma_wait3A_435 : memref<1x1x512xi32, #tpu.memory_space<hbm>> -> memref<512xi32, #tpu.memory_space<hbm>>
        tpu.wait_dma2 semaphore(%arg19 : memref<!tpu.dma_semaphore, #tpu.memory_space<semaphore_mem>>) src(%dma_wait3A_436 : memref<512xi32, #tpu.memory_space<hbm>>) dst(%dma_wait3A_433 : memref<512xi32, #tpu.memory_space<vmem>>)
        %dma_wait3A_437 = arith.constant 4 : i32
        %dma_wait3A_438 = arith.constant 0 : i32
        %dma_wait3A_439 = tpu.memref_slice %arg7[%dma_wait3A_437, %dma_wait3A_438] : memref<5x512xi32, #tpu.memory_space<vmem>> -> memref<1x512xi32, #tpu.memory_space<vmem>>
        %dma_wait3A_440 = tpu.memref_squeeze %dma_wait3A_439 : memref<1x512xi32, #tpu.memory_space<vmem>> -> memref<512xi32, #tpu.memory_space<vmem>>
        %dma_wait3A_441 = arith.constant 0 : i32
        %dma_wait3A_442 = tpu.memref_slice %arg3[%add3A, %add3A_423, %dma_wait3A_441] : memref<32x50x512xi32, #tpu.memory_space<hbm>> -> memref<1x1x512xi32, #tpu.memory_space<hbm>>
        %dma_wait3A_443 = tpu.memref_squeeze %dma_wait3A_442 : memref<1x1x512xi32, #tpu.memory_space<hbm>> -> memref<512xi32, #tpu.memory_space<hbm>>
        %dma_wait3A_444 = arith.constant 0 : i32
        %dma_wait3A_445 = tpu.memref_slice %arg7[%dma_wait3A_437, %dma_wait3A_444] : memref<5x512xi32, #tpu.memory_space<vmem>> -> memref<1x512xi32, #tpu.memory_space<vmem>>
        %dma_wait3A_446 = tpu.memref_squeeze %dma_wait3A_445 : memref<1x512xi32, #tpu.memory_space<vmem>> -> memref<512xi32, #tpu.memory_space<vmem>>
        %dma_wait3A_447 = arith.constant 0 : i32
        %dma_wait3A_448 = tpu.memref_slice %arg3[%add3A, %add3A_423, %dma_wait3A_447] : memref<32x50x512xi32, #tpu.memory_space<hbm>> -> memref<1x1x512xi32, #tpu.memory_space<hbm>>
        %dma_wait3A_449 = tpu.memref_squeeze %dma_wait3A_448 : memref<1x1x512xi32, #tpu.memory_space<hbm>> -> memref<512xi32, #tpu.memory_space<hbm>>
        tpu.wait_dma2 semaphore(%arg19 : memref<!tpu.dma_semaphore, #tpu.memory_space<semaphore_mem>>) src(%dma_wait3A_449 : memref<512xi32, #tpu.memory_space<hbm>>) dst(%dma_wait3A_446 : memref<512xi32, #tpu.memory_space<vmem>>)
        %dma_start3A_450 = arith.constant 4 : i32
        %dma_start3A_451 = arith.constant 4 : i32
        %dma_start3A_452 = arith.constant 0 : i32
        %dma_start3A_453 = arith.constant 0 : i32
        %dma_start3A_454 = tpu.memref_slice %arg8[%dma_start3A_451, %dma_start3A_452, %dma_start3A_453] : memref<5x512x16xf32, #tpu.memory_space<vmem>> -> memref<1x512x16xf32, #tpu.memory_space<vmem>>
        %dma_start3A_455 = tpu.memref_squeeze %dma_start3A_454 : memref<1x512x16xf32, #tpu.memory_space<vmem>> -> memref<512x16xf32, #tpu.memory_space<vmem>>
        %dma_start3A_456 = arith.constant 0 : i32
        %dma_start3A_457 = tpu.memref_slice %arg6[%dma_start3A_450, %dma_start3A_456] : memref<5x512xi32, #tpu.memory_space<vmem>> -> memref<1x512xi32, #tpu.memory_space<vmem>>
        %dma_start3A_458 = tpu.memref_squeeze %dma_start3A_457 : memref<1x512xi32, #tpu.memory_space<vmem>> -> memref<512xi32, #tpu.memory_space<vmem>>
        %dma_start3A_459 = arith.constant 0 : i32
        %dma_start3A_460 = arith.constant 0 : i32
        %dma_start3A_461 = tpu.memref_slice %arg4[%dma_start3A_459, %dma_start3A_460] : memref<2000000x16xf32, #tpu.memory_space<hbm>> -> memref<2000000x16xf32, #tpu.memory_space<hbm>>
        tpu.enqueue_indirect_dma source(%dma_start3A_461 : memref<2000000x16xf32, #tpu.memory_space<hbm>>) target(%dma_start3A_455 : memref<512x16xf32, #tpu.memory_space<vmem>>) offsets(%dma_start3A_458 : memref<512xi32, #tpu.memory_space<vmem>>) semaphore(%arg24 : memref<!tpu.dma_semaphore, #tpu.memory_space<semaphore_mem>>)
      } else {
      }
      %dma_wait3A_312 = arith.constant 2 : i32
      %dma_wait3A_313 = arith.constant 2 : i32
      %dma_wait3A_314 = arith.constant 0 : i32
      %dma_wait3A_315 = arith.constant 0 : i32
      %dma_wait3A_316 = tpu.memref_slice %arg8[%dma_wait3A_313, %dma_wait3A_314, %dma_wait3A_315] : memref<5x512x16xf32, #tpu.memory_space<vmem>> -> memref<1x512x16xf32, #tpu.memory_space<vmem>>
      %dma_wait3A_317 = tpu.memref_squeeze %dma_wait3A_316 : memref<1x512x16xf32, #tpu.memory_space<vmem>> -> memref<512x16xf32, #tpu.memory_space<vmem>>
      %dma_wait3A_318 = arith.constant 0 : i32
      %dma_wait3A_319 = tpu.memref_slice %arg6[%dma_wait3A_312, %dma_wait3A_318] : memref<5x512xi32, #tpu.memory_space<vmem>> -> memref<1x512xi32, #tpu.memory_space<vmem>>
      %dma_wait3A_320 = tpu.memref_squeeze %dma_wait3A_319 : memref<1x512xi32, #tpu.memory_space<vmem>> -> memref<512xi32, #tpu.memory_space<vmem>>
      %dma_wait3A_321 = arith.constant 0 : i32
      %dma_wait3A_322 = arith.constant 0 : i32
      %dma_wait3A_323 = tpu.memref_slice %arg4[%dma_wait3A_321, %dma_wait3A_322] : memref<2000000x16xf32, #tpu.memory_space<hbm>> -> memref<2000000x16xf32, #tpu.memory_space<hbm>>
      tpu.wait_indirect_dma semaphore(%arg22 : memref<!tpu.dma_semaphore, #tpu.memory_space<semaphore_mem>>) src(%dma_wait3A_323 : memref<2000000x16xf32, #tpu.memory_space<hbm>>) dst(%dma_wait3A_317 : memref<512x16xf32, #tpu.memory_space<vmem>>)
      %mul3A_324 = arith.constant 512 : i32
      %mul3A_325 = arith.muli %add3A_292, %mul3A_324 : i32
      %scan3A_326 = arith.constant 0 : i32
      %scan3A_327 = arith.constant 0 : i32
      %scan3A_328 = arith.constant 32 : i32
      %scan3A_329 = arith.addi %scan3A_327, %scan3A_328 : i32
      %scan3A_330 = arith.constant 1 : i32
      %scan3A_331 = scf.for %scan3A_422 = %scan3A_327 to %scan3A_329 step %scan3A_330 iter_args(%scan3A_423 = %scan3A_326) -> (i32)  : i32 {
        %mul3A_424 = arith.constant 16 : i32
        %mul3A_425 = arith.muli %scan3A_422, %mul3A_424 : i32
        %get3A = arith.constant 2 : i32
        %get3A_426 = arith.index_cast %get3A : i32 to index
        %get3A_427 = arith.index_cast %mul3A_425 : i32 to index
        %get3A_428 = tpu.vector_load %arg7[%get3A_426, %get3A_427] {strides = array<i32>} : memref<5x512xi32, #tpu.memory_space<vmem>>, vector<1x16xi32>,
        %get3A_429 = vector.shape_cast %get3A_428 : vector<1x16xi32> to vector<16xi32>
        %add3A_430 = arith.addi %mul3A_325, %mul3A_425 : i32
        %broadcast_in_dim3A_431 = vector.broadcast %add3A_430 : i32 to vector<16xi32>
        %add3A_432 = arith.addi %broadcast_in_dim3A_431, %iota3A : vector<16xi32>
        %mul3A_433 = arith.constant 41944 : i32
        %mul3A_434 = vector.broadcast %mul3A_433 : i32 to vector<16xi32>
        %mul3A_435 = arith.muli %add3A_432, %mul3A_434 : vector<16xi32>
        %shift_right_arithmetic3A = arith.constant 23 : i32
        %shift_right_arithmetic3A_436 = vector.broadcast %shift_right_arithmetic3A : i32 to vector<16xi32>
        %shift_right_arithmetic3A_437 = arith.shrsi %mul3A_435, %shift_right_arithmetic3A_436 : vector<16xi32>
        %gt3A = arith.constant 0 : i32
        %gt3A_438 = vector.broadcast %gt3A : i32 to vector<16xi32>
        %gt3A_439 = arith.cmpi sgt, %get3A_429, %gt3A_438 : vector<16xi32>
        %add3A_440 = arith.addi %broadcast_in_dim3A, %shift_right_arithmetic3A_437 : vector<16xi32>
        %select_n3A = arith.select %gt3A_439, %add3A_440, %broadcast_in_dim3A_5 : vector<16xi1>, vector<16xi32>
        %swap3A = arith.constant 2 : i32
        %swap3A_441 = arith.index_cast %swap3A : i32 to index
        %swap3A_442 = arith.index_cast %mul3A_425 : i32 to index
        %swap3A_443 = tpu.vector_load %arg9[%swap3A_441, %swap3A_442] {strides = array<i32>} : memref<5x512xi32, #tpu.memory_space<vmem>>, vector<1x16xi32>,
        %swap3A_444 = vector.shape_cast %swap3A_443 : vector<1x16xi32> to vector<16xi32>
        %swap3A_445 = vector.shape_cast %select_n3A : vector<16xi32> to vector<1x16xi32>
        tpu.vector_store %arg9[%swap3A_441, %swap3A_442], %swap3A_445 {strides = array<i32>} : memref<5x512xi32, #tpu.memory_space<vmem>>, vector<1x16xi32>,
        %scan3A_446 = arith.constant 0 : i32
        scf.yield %scan3A_446 : i32
      }
      %scan3A_332 = arith.constant 32 : i32
      %mul3A_333 = arith.constant 5 : i32
      %mul3A_334 = arith.muli %scan3A_203, %mul3A_333 : i32
      %add3A_335 = arith.constant 3 : i32
      %add3A_336 = arith.addi %mul3A_334, %add3A_335 : i32
      %ge3A_337 = arith.constant 2 : i32
      %ge3A_338 = arith.cmpi sge, %add3A_336, %ge3A_337 : i32
      %convert_element_type3A_339 = arith.extui %ge3A_338 : i1 to i32
      %cond3A_340 = arith.constant 0 : i32
      %cond3A_341 = arith.cmpi ne, %convert_element_type3A_339, %cond3A_340 : i32
      scf.if %cond3A_341 {
      } else {
      }
      %add3A_342 = arith.constant 3 : i32
      %add3A_343 = arith.addi %add3A_336, %add3A_342 : i32
      %lt3A_344 = arith.constant 50 : i32
      %lt3A_345 = arith.cmpi slt, %add3A_343, %lt3A_344 : i32
      %convert_element_type3A_346 = arith.extui %lt3A_345 : i1 to i32
      %cond3A_347 = arith.constant 0 : i32
      %cond3A_348 = arith.cmpi ne, %convert_element_type3A_346, %cond3A_347 : i32
      scf.if %cond3A_348 {
        %add3A_422 = arith.constant 3 : i32
        %add3A_423 = arith.addi %add3A_336, %add3A_422 : i32
        %dma_start3A_424 = arith.constant 1 : i32
        %dma_start3A_425 = arith.constant 0 : i32
        %dma_start3A_426 = tpu.memref_slice %arg6[%dma_start3A_424, %dma_start3A_425] : memref<5x512xi32, #tpu.memory_space<vmem>> -> memref<1x512xi32, #tpu.memory_space<vmem>>
        %dma_start3A_427 = tpu.memref_squeeze %dma_start3A_426 : memref<1x512xi32, #tpu.memory_space<vmem>> -> memref<512xi32, #tpu.memory_space<vmem>>
        %dma_start3A_428 = arith.constant 0 : i32
        %dma_start3A_429 = tpu.memref_slice %arg2[%add3A, %add3A_423, %dma_start3A_428] : memref<32x50x512xi32, #tpu.memory_space<hbm>> -> memref<1x1x512xi32, #tpu.memory_space<hbm>>
        %dma_start3A_430 = tpu.memref_squeeze %dma_start3A_429 : memref<1x1x512xi32, #tpu.memory_space<hbm>> -> memref<512xi32, #tpu.memory_space<hbm>>
        %dma_start3A_431 = arith.constant 0 : i32
        %dma_start3A_432 = tpu.memref_slice %arg6[%dma_start3A_424, %dma_start3A_431] : memref<5x512xi32, #tpu.memory_space<vmem>> -> memref<1x512xi32, #tpu.memory_space<vmem>>
        %dma_start3A_433 = tpu.memref_squeeze %dma_start3A_432 : memref<1x512xi32, #tpu.memory_space<vmem>> -> memref<512xi32, #tpu.memory_space<vmem>>
        %dma_start3A_434 = arith.constant 0 : i32
        %dma_start3A_435 = tpu.memref_slice %arg2[%add3A, %add3A_423, %dma_start3A_434] : memref<32x50x512xi32, #tpu.memory_space<hbm>> -> memref<1x1x512xi32, #tpu.memory_space<hbm>>
        %dma_start3A_436 = tpu.memref_squeeze %dma_start3A_435 : memref<1x1x512xi32, #tpu.memory_space<hbm>> -> memref<512xi32, #tpu.memory_space<hbm>>
        tpu.enqueue_dma source(%dma_start3A_436 : memref<512xi32, #tpu.memory_space<hbm>>) target(%dma_start3A_433 : memref<512xi32, #tpu.memory_space<vmem>>) target_semaphore(%arg16 : memref<!tpu.dma_semaphore, #tpu.memory_space<semaphore_mem>>)
        %dma_start3A_437 = arith.constant 1 : i32
        %dma_start3A_438 = arith.constant 0 : i32
        %dma_start3A_439 = tpu.memref_slice %arg7[%dma_start3A_437, %dma_start3A_438] : memref<5x512xi32, #tpu.memory_space<vmem>> -> memref<1x512xi32, #tpu.memory_space<vmem>>
        %dma_start3A_440 = tpu.memref_squeeze %dma_start3A_439 : memref<1x512xi32, #tpu.memory_space<vmem>> -> memref<512xi32, #tpu.memory_space<vmem>>
        %dma_start3A_441 = arith.constant 0 : i32
        %dma_start3A_442 = tpu.memref_slice %arg3[%add3A, %add3A_423, %dma_start3A_441] : memref<32x50x512xi32, #tpu.memory_space<hbm>> -> memref<1x1x512xi32, #tpu.memory_space<hbm>>
        %dma_start3A_443 = tpu.memref_squeeze %dma_start3A_442 : memref<1x1x512xi32, #tpu.memory_space<hbm>> -> memref<512xi32, #tpu.memory_space<hbm>>
        %dma_start3A_444 = arith.constant 0 : i32
        %dma_start3A_445 = tpu.memref_slice %arg7[%dma_start3A_437, %dma_start3A_444] : memref<5x512xi32, #tpu.memory_space<vmem>> -> memref<1x512xi32, #tpu.memory_space<vmem>>
        %dma_start3A_446 = tpu.memref_squeeze %dma_start3A_445 : memref<1x512xi32, #tpu.memory_space<vmem>> -> memref<512xi32, #tpu.memory_space<vmem>>
        %dma_start3A_447 = arith.constant 0 : i32
        %dma_start3A_448 = tpu.memref_slice %arg3[%add3A, %add3A_423, %dma_start3A_447] : memref<32x50x512xi32, #tpu.memory_space<hbm>> -> memref<1x1x512xi32, #tpu.memory_space<hbm>>
        %dma_start3A_449 = tpu.memref_squeeze %dma_start3A_448 : memref<1x1x512xi32, #tpu.memory_space<hbm>> -> memref<512xi32, #tpu.memory_space<hbm>>
        tpu.enqueue_dma source(%dma_start3A_449 : memref<512xi32, #tpu.memory_space<hbm>>) target(%dma_start3A_446 : memref<512xi32, #tpu.memory_space<vmem>>) target_semaphore(%arg16 : memref<!tpu.dma_semaphore, #tpu.memory_space<semaphore_mem>>)
      } else {
      }
      %add3A_349 = arith.constant 2 : i32
      %add3A_350 = arith.addi %add3A_336, %add3A_349 : i32
      %lt3A_351 = arith.constant 50 : i32
      %lt3A_352 = arith.cmpi slt, %add3A_350, %lt3A_351 : i32
      %convert_element_type3A_353 = arith.extui %lt3A_352 : i1 to i32
      %cond3A_354 = arith.constant 0 : i32
      %cond3A_355 = arith.cmpi ne, %convert_element_type3A_353, %cond3A_354 : i32
      scf.if %cond3A_355 {
        %add3A_422 = arith.constant 2 : i32
        %add3A_423 = arith.addi %add3A_336, %add3A_422 : i32
        %dma_wait3A_424 = arith.constant 0 : i32
        %dma_wait3A_425 = arith.constant 0 : i32
        %dma_wait3A_426 = tpu.memref_slice %arg6[%dma_wait3A_424, %dma_wait3A_425] : memref<5x512xi32, #tpu.memory_space<vmem>> -> memref<1x512xi32, #tpu.memory_space<vmem>>
        %dma_wait3A_427 = tpu.memref_squeeze %dma_wait3A_426 : memref<1x512xi32, #tpu.memory_space<vmem>> -> memref<512xi32, #tpu.memory_space<vmem>>
        %dma_wait3A_428 = arith.constant 0 : i32
        %dma_wait3A_429 = tpu.memref_slice %arg2[%add3A, %add3A_423, %dma_wait3A_428] : memref<32x50x512xi32, #tpu.memory_space<hbm>> -> memref<1x1x512xi32, #tpu.memory_space<hbm>>
        %dma_wait3A_430 = tpu.memref_squeeze %dma_wait3A_429 : memref<1x1x512xi32, #tpu.memory_space<hbm>> -> memref<512xi32, #tpu.memory_space<hbm>>
        %dma_wait3A_431 = arith.constant 0 : i32
        %dma_wait3A_432 = tpu.memref_slice %arg6[%dma_wait3A_424, %dma_wait3A_431] : memref<5x512xi32, #tpu.memory_space<vmem>> -> memref<1x512xi32, #tpu.memory_space<vmem>>
        %dma_wait3A_433 = tpu.memref_squeeze %dma_wait3A_432 : memref<1x512xi32, #tpu.memory_space<vmem>> -> memref<512xi32, #tpu.memory_space<vmem>>
        %dma_wait3A_434 = arith.constant 0 : i32
        %dma_wait3A_435 = tpu.memref_slice %arg2[%add3A, %add3A_423, %dma_wait3A_434] : memref<32x50x512xi32, #tpu.memory_space<hbm>> -> memref<1x1x512xi32, #tpu.memory_space<hbm>>
        %dma_wait3A_436 = tpu.memref_squeeze %dma_wait3A_435 : memref<1x1x512xi32, #tpu.memory_space<hbm>> -> memref<512xi32, #tpu.memory_space<hbm>>
        tpu.wait_dma2 semaphore(%arg15 : memref<!tpu.dma_semaphore, #tpu.memory_space<semaphore_mem>>) src(%dma_wait3A_436 : memref<512xi32, #tpu.memory_space<hbm>>) dst(%dma_wait3A_433 : memref<512xi32, #tpu.memory_space<vmem>>)
        %dma_wait3A_437 = arith.constant 0 : i32
        %dma_wait3A_438 = arith.constant 0 : i32
        %dma_wait3A_439 = tpu.memref_slice %arg7[%dma_wait3A_437, %dma_wait3A_438] : memref<5x512xi32, #tpu.memory_space<vmem>> -> memref<1x512xi32, #tpu.memory_space<vmem>>
        %dma_wait3A_440 = tpu.memref_squeeze %dma_wait3A_439 : memref<1x512xi32, #tpu.memory_space<vmem>> -> memref<512xi32, #tpu.memory_space<vmem>>
        %dma_wait3A_441 = arith.constant 0 : i32
        %dma_wait3A_442 = tpu.memref_slice %arg3[%add3A, %add3A_423, %dma_wait3A_441] : memref<32x50x512xi32, #tpu.memory_space<hbm>> -> memref<1x1x512xi32, #tpu.memory_space<hbm>>
        %dma_wait3A_443 = tpu.memref_squeeze %dma_wait3A_442 : memref<1x1x512xi32, #tpu.memory_space<hbm>> -> memref<512xi32, #tpu.memory_space<hbm>>
        %dma_wait3A_444 = arith.constant 0 : i32
        %dma_wait3A_445 = tpu.memref_slice %arg7[%dma_wait3A_437, %dma_wait3A_444] : memref<5x512xi32, #tpu.memory_space<vmem>> -> memref<1x512xi32, #tpu.memory_space<vmem>>
        %dma_wait3A_446 = tpu.memref_squeeze %dma_wait3A_445 : memref<1x512xi32, #tpu.memory_space<vmem>> -> memref<512xi32, #tpu.memory_space<vmem>>
        %dma_wait3A_447 = arith.constant 0 : i32
        %dma_wait3A_448 = tpu.memref_slice %arg3[%add3A, %add3A_423, %dma_wait3A_447] : memref<32x50x512xi32, #tpu.memory_space<hbm>> -> memref<1x1x512xi32, #tpu.memory_space<hbm>>
        %dma_wait3A_449 = tpu.memref_squeeze %dma_wait3A_448 : memref<1x1x512xi32, #tpu.memory_space<hbm>> -> memref<512xi32, #tpu.memory_space<hbm>>
        tpu.wait_dma2 semaphore(%arg15 : memref<!tpu.dma_semaphore, #tpu.memory_space<semaphore_mem>>) src(%dma_wait3A_449 : memref<512xi32, #tpu.memory_space<hbm>>) dst(%dma_wait3A_446 : memref<512xi32, #tpu.memory_space<vmem>>)
        %dma_start3A_450 = arith.constant 0 : i32
        %dma_start3A_451 = arith.constant 0 : i32
        %dma_start3A_452 = arith.constant 0 : i32
        %dma_start3A_453 = arith.constant 0 : i32
        %dma_start3A_454 = tpu.memref_slice %arg8[%dma_start3A_451, %dma_start3A_452, %dma_start3A_453] : memref<5x512x16xf32, #tpu.memory_space<vmem>> -> memref<1x512x16xf32, #tpu.memory_space<vmem>>
        %dma_start3A_455 = tpu.memref_squeeze %dma_start3A_454 : memref<1x512x16xf32, #tpu.memory_space<vmem>> -> memref<512x16xf32, #tpu.memory_space<vmem>>
        %dma_start3A_456 = arith.constant 0 : i32
        %dma_start3A_457 = tpu.memref_slice %arg6[%dma_start3A_450, %dma_start3A_456] : memref<5x512xi32, #tpu.memory_space<vmem>> -> memref<1x512xi32, #tpu.memory_space<vmem>>
        %dma_start3A_458 = tpu.memref_squeeze %dma_start3A_457 : memref<1x512xi32, #tpu.memory_space<vmem>> -> memref<512xi32, #tpu.memory_space<vmem>>
        %dma_start3A_459 = arith.constant 0 : i32
        %dma_start3A_460 = arith.constant 0 : i32
        %dma_start3A_461 = tpu.memref_slice %arg4[%dma_start3A_459, %dma_start3A_460] : memref<2000000x16xf32, #tpu.memory_space<hbm>> -> memref<2000000x16xf32, #tpu.memory_space<hbm>>
        tpu.enqueue_indirect_dma source(%dma_start3A_461 : memref<2000000x16xf32, #tpu.memory_space<hbm>>) target(%dma_start3A_455 : memref<512x16xf32, #tpu.memory_space<vmem>>) offsets(%dma_start3A_458 : memref<512xi32, #tpu.memory_space<vmem>>) semaphore(%arg20 : memref<!tpu.dma_semaphore, #tpu.memory_space<semaphore_mem>>)
      } else {
      }
      %dma_wait3A_356 = arith.constant 3 : i32
      %dma_wait3A_357 = arith.constant 3 : i32
      %dma_wait3A_358 = arith.constant 0 : i32
      %dma_wait3A_359 = arith.constant 0 : i32
      %dma_wait3A_360 = tpu.memref_slice %arg8[%dma_wait3A_357, %dma_wait3A_358, %dma_wait3A_359] : memref<5x512x16xf32, #tpu.memory_space<vmem>> -> memref<1x512x16xf32, #tpu.memory_space<vmem>>
      %dma_wait3A_361 = tpu.memref_squeeze %dma_wait3A_360 : memref<1x512x16xf32, #tpu.memory_space<vmem>> -> memref<512x16xf32, #tpu.memory_space<vmem>>
      %dma_wait3A_362 = arith.constant 0 : i32
      %dma_wait3A_363 = tpu.memref_slice %arg6[%dma_wait3A_356, %dma_wait3A_362] : memref<5x512xi32, #tpu.memory_space<vmem>> -> memref<1x512xi32, #tpu.memory_space<vmem>>
      %dma_wait3A_364 = tpu.memref_squeeze %dma_wait3A_363 : memref<1x512xi32, #tpu.memory_space<vmem>> -> memref<512xi32, #tpu.memory_space<vmem>>
      %dma_wait3A_365 = arith.constant 0 : i32
      %dma_wait3A_366 = arith.constant 0 : i32
      %dma_wait3A_367 = tpu.memref_slice %arg4[%dma_wait3A_365, %dma_wait3A_366] : memref<2000000x16xf32, #tpu.memory_space<hbm>> -> memref<2000000x16xf32, #tpu.memory_space<hbm>>
      tpu.wait_indirect_dma semaphore(%arg23 : memref<!tpu.dma_semaphore, #tpu.memory_space<semaphore_mem>>) src(%dma_wait3A_367 : memref<2000000x16xf32, #tpu.memory_space<hbm>>) dst(%dma_wait3A_361 : memref<512x16xf32, #tpu.memory_space<vmem>>)
      %mul3A_368 = arith.constant 512 : i32
      %mul3A_369 = arith.muli %add3A_336, %mul3A_368 : i32
      %scan3A_370 = arith.constant 0 : i32
      %scan3A_371 = arith.constant 0 : i32
      %scan3A_372 = arith.constant 32 : i32
      %scan3A_373 = arith.addi %scan3A_371, %scan3A_372 : i32
      %scan3A_374 = arith.constant 1 : i32
      %scan3A_375 = scf.for %scan3A_422 = %scan3A_371 to %scan3A_373 step %scan3A_374 iter_args(%scan3A_423 = %scan3A_370) -> (i32)  : i32 {
        %mul3A_424 = arith.constant 16 : i32
        %mul3A_425 = arith.muli %scan3A_422, %mul3A_424 : i32
        %get3A = arith.constant 3 : i32
        %get3A_426 = arith.index_cast %get3A : i32 to index
        %get3A_427 = arith.index_cast %mul3A_425 : i32 to index
        %get3A_428 = tpu.vector_load %arg7[%get3A_426, %get3A_427] {strides = array<i32>} : memref<5x512xi32, #tpu.memory_space<vmem>>, vector<1x16xi32>,
        %get3A_429 = vector.shape_cast %get3A_428 : vector<1x16xi32> to vector<16xi32>
        %add3A_430 = arith.addi %mul3A_369, %mul3A_425 : i32
        %broadcast_in_dim3A_431 = vector.broadcast %add3A_430 : i32 to vector<16xi32>
        %add3A_432 = arith.addi %broadcast_in_dim3A_431, %iota3A : vector<16xi32>
        %mul3A_433 = arith.constant 41944 : i32
        %mul3A_434 = vector.broadcast %mul3A_433 : i32 to vector<16xi32>
        %mul3A_435 = arith.muli %add3A_432, %mul3A_434 : vector<16xi32>
        %shift_right_arithmetic3A = arith.constant 23 : i32
        %shift_right_arithmetic3A_436 = vector.broadcast %shift_right_arithmetic3A : i32 to vector<16xi32>
        %shift_right_arithmetic3A_437 = arith.shrsi %mul3A_435, %shift_right_arithmetic3A_436 : vector<16xi32>
        %gt3A = arith.constant 0 : i32
        %gt3A_438 = vector.broadcast %gt3A : i32 to vector<16xi32>
        %gt3A_439 = arith.cmpi sgt, %get3A_429, %gt3A_438 : vector<16xi32>
        %add3A_440 = arith.addi %broadcast_in_dim3A, %shift_right_arithmetic3A_437 : vector<16xi32>
        %select_n3A = arith.select %gt3A_439, %add3A_440, %broadcast_in_dim3A_5 : vector<16xi1>, vector<16xi32>
        %swap3A = arith.constant 3 : i32
        %swap3A_441 = arith.index_cast %swap3A : i32 to index
        %swap3A_442 = arith.index_cast %mul3A_425 : i32 to index
        %swap3A_443 = tpu.vector_load %arg9[%swap3A_441, %swap3A_442] {strides = array<i32>} : memref<5x512xi32, #tpu.memory_space<vmem>>, vector<1x16xi32>,
        %swap3A_444 = vector.shape_cast %swap3A_443 : vector<1x16xi32> to vector<16xi32>
        %swap3A_445 = vector.shape_cast %select_n3A : vector<16xi32> to vector<1x16xi32>
        tpu.vector_store %arg9[%swap3A_441, %swap3A_442], %swap3A_445 {strides = array<i32>} : memref<5x512xi32, #tpu.memory_space<vmem>>, vector<1x16xi32>,
        %scan3A_446 = arith.constant 0 : i32
        scf.yield %scan3A_446 : i32
      }
      %scan3A_376 = arith.constant 32 : i32
      %mul3A_377 = arith.constant 5 : i32
      %mul3A_378 = arith.muli %scan3A_203, %mul3A_377 : i32
      %add3A_379 = arith.constant 4 : i32
      %add3A_380 = arith.addi %mul3A_378, %add3A_379 : i32
      %ge3A_381 = arith.constant 2 : i32
      %ge3A_382 = arith.cmpi sge, %add3A_380, %ge3A_381 : i32
      %convert_element_type3A_383 = arith.extui %ge3A_382 : i1 to i32
      %cond3A_384 = arith.constant 0 : i32
      %cond3A_385 = arith.cmpi ne, %convert_element_type3A_383, %cond3A_384 : i32
      scf.if %cond3A_385 {
      } else {
      }
      %add3A_386 = arith.constant 3 : i32
      %add3A_387 = arith.addi %add3A_380, %add3A_386 : i32
      %lt3A_388 = arith.constant 50 : i32
      %lt3A_389 = arith.cmpi slt, %add3A_387, %lt3A_388 : i32
      %convert_element_type3A_390 = arith.extui %lt3A_389 : i1 to i32
      %cond3A_391 = arith.constant 0 : i32
      %cond3A_392 = arith.cmpi ne, %convert_element_type3A_390, %cond3A_391 : i32
      scf.if %cond3A_392 {
        %add3A_422 = arith.constant 3 : i32
        %add3A_423 = arith.addi %add3A_380, %add3A_422 : i32
        %dma_start3A_424 = arith.constant 2 : i32
        %dma_start3A_425 = arith.constant 0 : i32
        %dma_start3A_426 = tpu.memref_slice %arg6[%dma_start3A_424, %dma_start3A_425] : memref<5x512xi32, #tpu.memory_space<vmem>> -> memref<1x512xi32, #tpu.memory_space<vmem>>
        %dma_start3A_427 = tpu.memref_squeeze %dma_start3A_426 : memref<1x512xi32, #tpu.memory_space<vmem>> -> memref<512xi32, #tpu.memory_space<vmem>>
        %dma_start3A_428 = arith.constant 0 : i32
        %dma_start3A_429 = tpu.memref_slice %arg2[%add3A, %add3A_423, %dma_start3A_428] : memref<32x50x512xi32, #tpu.memory_space<hbm>> -> memref<1x1x512xi32, #tpu.memory_space<hbm>>
        %dma_start3A_430 = tpu.memref_squeeze %dma_start3A_429 : memref<1x1x512xi32, #tpu.memory_space<hbm>> -> memref<512xi32, #tpu.memory_space<hbm>>
        %dma_start3A_431 = arith.constant 0 : i32
        %dma_start3A_432 = tpu.memref_slice %arg6[%dma_start3A_424, %dma_start3A_431] : memref<5x512xi32, #tpu.memory_space<vmem>> -> memref<1x512xi32, #tpu.memory_space<vmem>>
        %dma_start3A_433 = tpu.memref_squeeze %dma_start3A_432 : memref<1x512xi32, #tpu.memory_space<vmem>> -> memref<512xi32, #tpu.memory_space<vmem>>
        %dma_start3A_434 = arith.constant 0 : i32
        %dma_start3A_435 = tpu.memref_slice %arg2[%add3A, %add3A_423, %dma_start3A_434] : memref<32x50x512xi32, #tpu.memory_space<hbm>> -> memref<1x1x512xi32, #tpu.memory_space<hbm>>
        %dma_start3A_436 = tpu.memref_squeeze %dma_start3A_435 : memref<1x1x512xi32, #tpu.memory_space<hbm>> -> memref<512xi32, #tpu.memory_space<hbm>>
        tpu.enqueue_dma source(%dma_start3A_436 : memref<512xi32, #tpu.memory_space<hbm>>) target(%dma_start3A_433 : memref<512xi32, #tpu.memory_space<vmem>>) target_semaphore(%arg17 : memref<!tpu.dma_semaphore, #tpu.memory_space<semaphore_mem>>)
        %dma_start3A_437 = arith.constant 2 : i32
        %dma_start3A_438 = arith.constant 0 : i32
        %dma_start3A_439 = tpu.memref_slice %arg7[%dma_start3A_437, %dma_start3A_438] : memref<5x512xi32, #tpu.memory_space<vmem>> -> memref<1x512xi32, #tpu.memory_space<vmem>>
        %dma_start3A_440 = tpu.memref_squeeze %dma_start3A_439 : memref<1x512xi32, #tpu.memory_space<vmem>> -> memref<512xi32, #tpu.memory_space<vmem>>
        %dma_start3A_441 = arith.constant 0 : i32
        %dma_start3A_442 = tpu.memref_slice %arg3[%add3A, %add3A_423, %dma_start3A_441] : memref<32x50x512xi32, #tpu.memory_space<hbm>> -> memref<1x1x512xi32, #tpu.memory_space<hbm>>
        %dma_start3A_443 = tpu.memref_squeeze %dma_start3A_442 : memref<1x1x512xi32, #tpu.memory_space<hbm>> -> memref<512xi32, #tpu.memory_space<hbm>>
        %dma_start3A_444 = arith.constant 0 : i32
        %dma_start3A_445 = tpu.memref_slice %arg7[%dma_start3A_437, %dma_start3A_444] : memref<5x512xi32, #tpu.memory_space<vmem>> -> memref<1x512xi32, #tpu.memory_space<vmem>>
        %dma_start3A_446 = tpu.memref_squeeze %dma_start3A_445 : memref<1x512xi32, #tpu.memory_space<vmem>> -> memref<512xi32, #tpu.memory_space<vmem>>
        %dma_start3A_447 = arith.constant 0 : i32
        %dma_start3A_448 = tpu.memref_slice %arg3[%add3A, %add3A_423, %dma_start3A_447] : memref<32x50x512xi32, #tpu.memory_space<hbm>> -> memref<1x1x512xi32, #tpu.memory_space<hbm>>
        %dma_start3A_449 = tpu.memref_squeeze %dma_start3A_448 : memref<1x1x512xi32, #tpu.memory_space<hbm>> -> memref<512xi32, #tpu.memory_space<hbm>>
        tpu.enqueue_dma source(%dma_start3A_449 : memref<512xi32, #tpu.memory_space<hbm>>) target(%dma_start3A_446 : memref<512xi32, #tpu.memory_space<vmem>>) target_semaphore(%arg17 : memref<!tpu.dma_semaphore, #tpu.memory_space<semaphore_mem>>)
      } else {
      }
      %add3A_393 = arith.constant 2 : i32
      %add3A_394 = arith.addi %add3A_380, %add3A_393 : i32
      %lt3A_395 = arith.constant 50 : i32
      %lt3A_396 = arith.cmpi slt, %add3A_394, %lt3A_395 : i32
      %convert_element_type3A_397 = arith.extui %lt3A_396 : i1 to i32
      %cond3A_398 = arith.constant 0 : i32
      %cond3A_399 = arith.cmpi ne, %convert_element_type3A_397, %cond3A_398 : i32
      scf.if %cond3A_399 {
        %add3A_422 = arith.constant 2 : i32
        %add3A_423 = arith.addi %add3A_380, %add3A_422 : i32
        %dma_wait3A_424 = arith.constant 1 : i32
        %dma_wait3A_425 = arith.constant 0 : i32
        %dma_wait3A_426 = tpu.memref_slice %arg6[%dma_wait3A_424, %dma_wait3A_425] : memref<5x512xi32, #tpu.memory_space<vmem>> -> memref<1x512xi32, #tpu.memory_space<vmem>>
        %dma_wait3A_427 = tpu.memref_squeeze %dma_wait3A_426 : memref<1x512xi32, #tpu.memory_space<vmem>> -> memref<512xi32, #tpu.memory_space<vmem>>
        %dma_wait3A_428 = arith.constant 0 : i32
        %dma_wait3A_429 = tpu.memref_slice %arg2[%add3A, %add3A_423, %dma_wait3A_428] : memref<32x50x512xi32, #tpu.memory_space<hbm>> -> memref<1x1x512xi32, #tpu.memory_space<hbm>>
        %dma_wait3A_430 = tpu.memref_squeeze %dma_wait3A_429 : memref<1x1x512xi32, #tpu.memory_space<hbm>> -> memref<512xi32, #tpu.memory_space<hbm>>
        %dma_wait3A_431 = arith.constant 0 : i32
        %dma_wait3A_432 = tpu.memref_slice %arg6[%dma_wait3A_424, %dma_wait3A_431] : memref<5x512xi32, #tpu.memory_space<vmem>> -> memref<1x512xi32, #tpu.memory_space<vmem>>
        %dma_wait3A_433 = tpu.memref_squeeze %dma_wait3A_432 : memref<1x512xi32, #tpu.memory_space<vmem>> -> memref<512xi32, #tpu.memory_space<vmem>>
        %dma_wait3A_434 = arith.constant 0 : i32
        %dma_wait3A_435 = tpu.memref_slice %arg2[%add3A, %add3A_423, %dma_wait3A_434] : memref<32x50x512xi32, #tpu.memory_space<hbm>> -> memref<1x1x512xi32, #tpu.memory_space<hbm>>
        %dma_wait3A_436 = tpu.memref_squeeze %dma_wait3A_435 : memref<1x1x512xi32, #tpu.memory_space<hbm>> -> memref<512xi32, #tpu.memory_space<hbm>>
        tpu.wait_dma2 semaphore(%arg16 : memref<!tpu.dma_semaphore, #tpu.memory_space<semaphore_mem>>) src(%dma_wait3A_436 : memref<512xi32, #tpu.memory_space<hbm>>) dst(%dma_wait3A_433 : memref<512xi32, #tpu.memory_space<vmem>>)
        %dma_wait3A_437 = arith.constant 1 : i32
        %dma_wait3A_438 = arith.constant 0 : i32
        %dma_wait3A_439 = tpu.memref_slice %arg7[%dma_wait3A_437, %dma_wait3A_438] : memref<5x512xi32, #tpu.memory_space<vmem>> -> memref<1x512xi32, #tpu.memory_space<vmem>>
        %dma_wait3A_440 = tpu.memref_squeeze %dma_wait3A_439 : memref<1x512xi32, #tpu.memory_space<vmem>> -> memref<512xi32, #tpu.memory_space<vmem>>
        %dma_wait3A_441 = arith.constant 0 : i32
        %dma_wait3A_442 = tpu.memref_slice %arg3[%add3A, %add3A_423, %dma_wait3A_441] : memref<32x50x512xi32, #tpu.memory_space<hbm>> -> memref<1x1x512xi32, #tpu.memory_space<hbm>>
        %dma_wait3A_443 = tpu.memref_squeeze %dma_wait3A_442 : memref<1x1x512xi32, #tpu.memory_space<hbm>> -> memref<512xi32, #tpu.memory_space<hbm>>
        %dma_wait3A_444 = arith.constant 0 : i32
        %dma_wait3A_445 = tpu.memref_slice %arg7[%dma_wait3A_437, %dma_wait3A_444] : memref<5x512xi32, #tpu.memory_space<vmem>> -> memref<1x512xi32, #tpu.memory_space<vmem>>
        %dma_wait3A_446 = tpu.memref_squeeze %dma_wait3A_445 : memref<1x512xi32, #tpu.memory_space<vmem>> -> memref<512xi32, #tpu.memory_space<vmem>>
        %dma_wait3A_447 = arith.constant 0 : i32
        %dma_wait3A_448 = tpu.memref_slice %arg3[%add3A, %add3A_423, %dma_wait3A_447] : memref<32x50x512xi32, #tpu.memory_space<hbm>> -> memref<1x1x512xi32, #tpu.memory_space<hbm>>
        %dma_wait3A_449 = tpu.memref_squeeze %dma_wait3A_448 : memref<1x1x512xi32, #tpu.memory_space<hbm>> -> memref<512xi32, #tpu.memory_space<hbm>>
        tpu.wait_dma2 semaphore(%arg16 : memref<!tpu.dma_semaphore, #tpu.memory_space<semaphore_mem>>) src(%dma_wait3A_449 : memref<512xi32, #tpu.memory_space<hbm>>) dst(%dma_wait3A_446 : memref<512xi32, #tpu.memory_space<vmem>>)
        %dma_start3A_450 = arith.constant 1 : i32
        %dma_start3A_451 = arith.constant 1 : i32
        %dma_start3A_452 = arith.constant 0 : i32
        %dma_start3A_453 = arith.constant 0 : i32
        %dma_start3A_454 = tpu.memref_slice %arg8[%dma_start3A_451, %dma_start3A_452, %dma_start3A_453] : memref<5x512x16xf32, #tpu.memory_space<vmem>> -> memref<1x512x16xf32, #tpu.memory_space<vmem>>
        %dma_start3A_455 = tpu.memref_squeeze %dma_start3A_454 : memref<1x512x16xf32, #tpu.memory_space<vmem>> -> memref<512x16xf32, #tpu.memory_space<vmem>>
        %dma_start3A_456 = arith.constant 0 : i32
        %dma_start3A_457 = tpu.memref_slice %arg6[%dma_start3A_450, %dma_start3A_456] : memref<5x512xi32, #tpu.memory_space<vmem>> -> memref<1x512xi32, #tpu.memory_space<vmem>>
        %dma_start3A_458 = tpu.memref_squeeze %dma_start3A_457 : memref<1x512xi32, #tpu.memory_space<vmem>> -> memref<512xi32, #tpu.memory_space<vmem>>
        %dma_start3A_459 = arith.constant 0 : i32
        %dma_start3A_460 = arith.constant 0 : i32
        %dma_start3A_461 = tpu.memref_slice %arg4[%dma_start3A_459, %dma_start3A_460] : memref<2000000x16xf32, #tpu.memory_space<hbm>> -> memref<2000000x16xf32, #tpu.memory_space<hbm>>
        tpu.enqueue_indirect_dma source(%dma_start3A_461 : memref<2000000x16xf32, #tpu.memory_space<hbm>>) target(%dma_start3A_455 : memref<512x16xf32, #tpu.memory_space<vmem>>) offsets(%dma_start3A_458 : memref<512xi32, #tpu.memory_space<vmem>>) semaphore(%arg21 : memref<!tpu.dma_semaphore, #tpu.memory_space<semaphore_mem>>)
      } else {
      }
      %dma_wait3A_400 = arith.constant 4 : i32
      %dma_wait3A_401 = arith.constant 4 : i32
      %dma_wait3A_402 = arith.constant 0 : i32
      %dma_wait3A_403 = arith.constant 0 : i32
      %dma_wait3A_404 = tpu.memref_slice %arg8[%dma_wait3A_401, %dma_wait3A_402, %dma_wait3A_403] : memref<5x512x16xf32, #tpu.memory_space<vmem>> -> memref<1x512x16xf32, #tpu.memory_space<vmem>>
      %dma_wait3A_405 = tpu.memref_squeeze %dma_wait3A_404 : memref<1x512x16xf32, #tpu.memory_space<vmem>> -> memref<512x16xf32, #tpu.memory_space<vmem>>
      %dma_wait3A_406 = arith.constant 0 : i32
      %dma_wait3A_407 = tpu.memref_slice %arg6[%dma_wait3A_400, %dma_wait3A_406] : memref<5x512xi32, #tpu.memory_space<vmem>> -> memref<1x512xi32, #tpu.memory_space<vmem>>
      %dma_wait3A_408 = tpu.memref_squeeze %dma_wait3A_407 : memref<1x512xi32, #tpu.memory_space<vmem>> -> memref<512xi32, #tpu.memory_space<vmem>>
      %dma_wait3A_409 = arith.constant 0 : i32
      %dma_wait3A_410 = arith.constant 0 : i32
      %dma_wait3A_411 = tpu.memref_slice %arg4[%dma_wait3A_409, %dma_wait3A_410] : memref<2000000x16xf32, #tpu.memory_space<hbm>> -> memref<2000000x16xf32, #tpu.memory_space<hbm>>
      tpu.wait_indirect_dma semaphore(%arg24 : memref<!tpu.dma_semaphore, #tpu.memory_space<semaphore_mem>>) src(%dma_wait3A_411 : memref<2000000x16xf32, #tpu.memory_space<hbm>>) dst(%dma_wait3A_405 : memref<512x16xf32, #tpu.memory_space<vmem>>)
      %mul3A_412 = arith.constant 512 : i32
      %mul3A_413 = arith.muli %add3A_380, %mul3A_412 : i32
      %scan3A_414 = arith.constant 0 : i32
      %scan3A_415 = arith.constant 0 : i32
      %scan3A_416 = arith.constant 32 : i32
      %scan3A_417 = arith.addi %scan3A_415, %scan3A_416 : i32
      %scan3A_418 = arith.constant 1 : i32
      %scan3A_419 = scf.for %scan3A_422 = %scan3A_415 to %scan3A_417 step %scan3A_418 iter_args(%scan3A_423 = %scan3A_414) -> (i32)  : i32 {
        %mul3A_424 = arith.constant 16 : i32
        %mul3A_425 = arith.muli %scan3A_422, %mul3A_424 : i32
        %get3A = arith.constant 4 : i32
        %get3A_426 = arith.index_cast %get3A : i32 to index
        %get3A_427 = arith.index_cast %mul3A_425 : i32 to index
        %get3A_428 = tpu.vector_load %arg7[%get3A_426, %get3A_427] {strides = array<i32>} : memref<5x512xi32, #tpu.memory_space<vmem>>, vector<1x16xi32>,
        %get3A_429 = vector.shape_cast %get3A_428 : vector<1x16xi32> to vector<16xi32>
        %add3A_430 = arith.addi %mul3A_413, %mul3A_425 : i32
        %broadcast_in_dim3A_431 = vector.broadcast %add3A_430 : i32 to vector<16xi32>
        %add3A_432 = arith.addi %broadcast_in_dim3A_431, %iota3A : vector<16xi32>
        %mul3A_433 = arith.constant 41944 : i32
        %mul3A_434 = vector.broadcast %mul3A_433 : i32 to vector<16xi32>
        %mul3A_435 = arith.muli %add3A_432, %mul3A_434 : vector<16xi32>
        %shift_right_arithmetic3A = arith.constant 23 : i32
        %shift_right_arithmetic3A_436 = vector.broadcast %shift_right_arithmetic3A : i32 to vector<16xi32>
        %shift_right_arithmetic3A_437 = arith.shrsi %mul3A_435, %shift_right_arithmetic3A_436 : vector<16xi32>
        %gt3A = arith.constant 0 : i32
        %gt3A_438 = vector.broadcast %gt3A : i32 to vector<16xi32>
        %gt3A_439 = arith.cmpi sgt, %get3A_429, %gt3A_438 : vector<16xi32>
        %add3A_440 = arith.addi %broadcast_in_dim3A, %shift_right_arithmetic3A_437 : vector<16xi32>
        %select_n3A = arith.select %gt3A_439, %add3A_440, %broadcast_in_dim3A_5 : vector<16xi1>, vector<16xi32>
        %swap3A = arith.constant 4 : i32
        %swap3A_441 = arith.index_cast %swap3A : i32 to index
        %swap3A_442 = arith.index_cast %mul3A_425 : i32 to index
        %swap3A_443 = tpu.vector_load %arg9[%swap3A_441, %swap3A_442] {strides = array<i32>} : memref<5x512xi32, #tpu.memory_space<vmem>>, vector<1x16xi32>,
        %swap3A_444 = vector.shape_cast %swap3A_443 : vector<1x16xi32> to vector<16xi32>
        %swap3A_445 = vector.shape_cast %select_n3A : vector<16xi32> to vector<1x16xi32>
        tpu.vector_store %arg9[%swap3A_441, %swap3A_442], %swap3A_445 {strides = array<i32>} : memref<5x512xi32, #tpu.memory_space<vmem>>, vector<1x16xi32>,
        %scan3A_446 = arith.constant 0 : i32
        scf.yield %scan3A_446 : i32
      }
      %scan3A_420 = arith.constant 32 : i32
      %scan3A_421 = arith.constant 0 : i32
      scf.yield %scan3A_421 : i32
    }
    %scan3A_193 = arith.constant 10 : i32
    "tpu.region"() ({
      %run_scoped3A = tpu.sem_alloc : memref<!tpu.dma_semaphore, #tpu.memory_space<semaphore_mem>>
      %dma_start3A_203 = arith.constant 0 : i32
      %dma_start3A_204 = tpu.memref_slice %arg13[%mul3A_2, %dma_start3A_203] : memref<2176x32xf32, #tpu.memory_space<vmem_shared>> -> memref<128x32xf32, #tpu.memory_space<vmem_shared>>
      %dma_start3A_205 = arith.constant 0 : i32
      %dma_start3A_206 = tpu.memref_slice %arg13[%mul3A_2, %dma_start3A_205] : memref<2176x32xf32, #tpu.memory_space<vmem_shared>> -> memref<128x32xf32, #tpu.memory_space<vmem_shared>>
      tpu.enqueue_dma source(%dma_start3A_206 : memref<128x32xf32, #tpu.memory_space<vmem_shared>>) target(%arg11 : memref<128x32xf32, #tpu.memory_space<vmem>>) target_semaphore(%run_scoped3A : memref<!tpu.dma_semaphore, #tpu.memory_space<semaphore_mem>>)
      %dma_wait3A_207 = arith.constant 0 : i32
      %dma_wait3A_208 = tpu.memref_slice %arg13[%mul3A_2, %dma_wait3A_207] : memref<2176x32xf32, #tpu.memory_space<vmem_shared>> -> memref<128x32xf32, #tpu.memory_space<vmem_shared>>
      %dma_wait3A_209 = arith.constant 0 : i32
      %dma_wait3A_210 = tpu.memref_slice %arg13[%mul3A_2, %dma_wait3A_209] : memref<2176x32xf32, #tpu.memory_space<vmem_shared>> -> memref<128x32xf32, #tpu.memory_space<vmem_shared>>
      tpu.wait_dma2 semaphore(%run_scoped3A : memref<!tpu.dma_semaphore, #tpu.memory_space<semaphore_mem>>) src(%dma_wait3A_210 : memref<128x32xf32, #tpu.memory_space<vmem_shared>>) dst(%arg11 : memref<128x32xf32, #tpu.memory_space<vmem>>)
      tpu.yield
    }) : () -> ()
    "tpu.region"() ({
      %run_scoped3A = tpu.sem_alloc : memref<!tpu.dma_semaphore, #tpu.memory_space<semaphore_mem>>
      %dma_start3A_203 = arith.constant 0 : i32
      %dma_start3A_204 = tpu.memref_slice %arg14[%mul3A_2, %dma_start3A_203] : memref<2176x16xf32, #tpu.memory_space<vmem_shared>> -> memref<128x16xf32, #tpu.memory_space<vmem_shared>>
      %dma_start3A_205 = arith.constant 0 : i32
      %dma_start3A_206 = tpu.memref_slice %arg14[%mul3A_2, %dma_start3A_205] : memref<2176x16xf32, #tpu.memory_space<vmem_shared>> -> memref<128x16xf32, #tpu.memory_space<vmem_shared>>
      tpu.enqueue_dma source(%dma_start3A_206 : memref<128x16xf32, #tpu.memory_space<vmem_shared>>) target(%arg12 : memref<128x16xf32, #tpu.memory_space<vmem>>) target_semaphore(%run_scoped3A : memref<!tpu.dma_semaphore, #tpu.memory_space<semaphore_mem>>)
      %dma_wait3A_207 = arith.constant 0 : i32
      %dma_wait3A_208 = tpu.memref_slice %arg14[%mul3A_2, %dma_wait3A_207] : memref<2176x16xf32, #tpu.memory_space<vmem_shared>> -> memref<128x16xf32, #tpu.memory_space<vmem_shared>>
      %dma_wait3A_209 = arith.constant 0 : i32
      %dma_wait3A_210 = tpu.memref_slice %arg14[%mul3A_2, %dma_wait3A_209] : memref<2176x16xf32, #tpu.memory_space<vmem_shared>> -> memref<128x16xf32, #tpu.memory_space<vmem_shared>>
      tpu.wait_dma2 semaphore(%run_scoped3A : memref<!tpu.dma_semaphore, #tpu.memory_space<semaphore_mem>>) src(%dma_wait3A_210 : memref<128x16xf32, #tpu.memory_space<vmem_shared>>) dst(%arg12 : memref<128x16xf32, #tpu.memory_space<vmem>>)
      tpu.yield
    }) : () -> ()
    %scan3A_194 = arith.constant 0 : i32
    %scan3A_195 = arith.constant 0 : i32
    %scan3A_196 = arith.constant 128 : i32
    %scan3A_197 = arith.addi %scan3A_195, %scan3A_196 : i32
    %scan3A_198 = arith.constant 1 : i32
    %scan3A_199 = scf.for %scan3A_203 = %scan3A_195 to %scan3A_197 step %scan3A_198 iter_args(%scan3A_204 = %scan3A_194) -> (i32)  : i32 {
      %get3A = arith.index_cast %scan3A_203 : i32 to index
      %get3A_205 = arith.constant 0 : index
      %get3A_206 = tpu.vector_load %arg12[%get3A, %get3A_205] {strides = array<i32>} : memref<128x16xf32, #tpu.memory_space<vmem>>, vector<1x16xf32>,
      %get3A_207 = vector.shape_cast %get3A_206 : vector<1x16xf32> to vector<16xf32>
      %div3A = arith.constant 1.000000e+00 : f32
      %div3A_208 = vector.broadcast %div3A : f32 to vector<16xf32>
      %div3A_209 = arith.divf %div3A_208, %get3A_207 : vector<16xf32>
      %get3A_210 = arith.index_cast %scan3A_203 : i32 to index
      %get3A_211 = arith.constant 0 : index
      %get3A_212 = tpu.vector_load %arg11[%get3A_210, %get3A_211] {strides = array<i32>} : memref<128x32xf32, #tpu.memory_space<vmem>>, vector<1x16xf32>,
      %get3A_213 = vector.shape_cast %get3A_212 : vector<1x16xf32> to vector<16xf32>
      %mul3A_214 = arith.mulf %get3A_213, %div3A_209 : vector<16xf32>
      %swap3A = arith.index_cast %scan3A_203 : i32 to index
      %swap3A_215 = arith.constant 0 : index
      %swap3A_216 = tpu.vector_load %arg11[%swap3A, %swap3A_215] {strides = array<i32>} : memref<128x32xf32, #tpu.memory_space<vmem>>, vector<1x16xf32>,
      %swap3A_217 = vector.shape_cast %swap3A_216 : vector<1x16xf32> to vector<16xf32>
      %swap3A_218 = vector.shape_cast %mul3A_214 : vector<16xf32> to vector<1x16xf32>
      tpu.vector_store %arg11[%swap3A, %swap3A_215], %swap3A_218 {strides = array<i32>} : memref<128x32xf32, #tpu.memory_space<vmem>>, vector<1x16xf32>,
      %get3A_219 = arith.index_cast %scan3A_203 : i32 to index
      %get3A_220 = arith.constant 16 : index
      %get3A_221 = tpu.vector_load %arg11[%get3A_219, %get3A_220] {strides = array<i32>} : memref<128x32xf32, #tpu.memory_space<vmem>>, vector<1x16xf32>,
      %get3A_222 = vector.shape_cast %get3A_221 : vector<1x16xf32> to vector<16xf32>
      %mul3A_223 = arith.mulf %get3A_222, %div3A_209 : vector<16xf32>
      %swap3A_224 = arith.index_cast %scan3A_203 : i32 to index
      %swap3A_225 = arith.constant 16 : index
      %swap3A_226 = tpu.vector_load %arg11[%swap3A_224, %swap3A_225] {strides = array<i32>} : memref<128x32xf32, #tpu.memory_space<vmem>>, vector<1x16xf32>,
      %swap3A_227 = vector.shape_cast %swap3A_226 : vector<1x16xf32> to vector<16xf32>
      %swap3A_228 = vector.shape_cast %mul3A_223 : vector<16xf32> to vector<1x16xf32>
      tpu.vector_store %arg11[%swap3A_224, %swap3A_225], %swap3A_228 {strides = array<i32>} : memref<128x32xf32, #tpu.memory_space<vmem>>, vector<1x16xf32>,
      %scan3A_229 = arith.constant 0 : i32
      scf.yield %scan3A_229 : i32
    }
    %scan3A_200 = arith.constant 128 : i32
    %mul3A_201 = arith.constant 128 : i32
    %mul3A_202 = arith.muli %add3A, %mul3A_201 : i32
    "tpu.region"() ({
      %run_scoped3A = tpu.sem_alloc : memref<!tpu.dma_semaphore, #tpu.memory_space<semaphore_mem>>
      %dma_start3A_203 = arith.constant 0 : i32
      %dma_start3A_204 = tpu.memref_slice %arg5[%mul3A_202, %dma_start3A_203] : memref<4096x32xf32, #tpu.memory_space<hbm>> -> memref<128x32xf32, #tpu.memory_space<hbm>>
      %dma_start3A_205 = arith.constant 0 : i32
      %dma_start3A_206 = tpu.memref_slice %arg5[%mul3A_202, %dma_start3A_205] : memref<4096x32xf32, #tpu.memory_space<hbm>> -> memref<128x32xf32, #tpu.memory_space<hbm>>
      tpu.enqueue_dma source(%arg11 : memref<128x32xf32, #tpu.memory_space<vmem>>) target(%dma_start3A_206 : memref<128x32xf32, #tpu.memory_space<hbm>>) target_semaphore(%run_scoped3A : memref<!tpu.dma_semaphore, #tpu.memory_space<semaphore_mem>>)
      %dma_wait3A_207 = arith.constant 0 : i32
      %dma_wait3A_208 = tpu.memref_slice %arg5[%mul3A_202, %dma_wait3A_207] : memref<4096x32xf32, #tpu.memory_space<hbm>> -> memref<128x32xf32, #tpu.memory_space<hbm>>
      %dma_wait3A_209 = arith.constant 0 : i32
      %dma_wait3A_210 = tpu.memref_slice %arg5[%mul3A_202, %dma_wait3A_209] : memref<4096x32xf32, #tpu.memory_space<hbm>> -> memref<128x32xf32, #tpu.memory_space<hbm>>
      tpu.wait_dma2 semaphore(%run_scoped3A : memref<!tpu.dma_semaphore, #tpu.memory_space<semaphore_mem>>) src(%arg11 : memref<128x32xf32, #tpu.memory_space<vmem>>) dst(%dma_wait3A_210 : memref<128x32xf32, #tpu.memory_space<hbm>>)
      tpu.yield
    }) : () -> ()
    return
  }
}

</mosaic_0001>

<sc_bundles>
// kernel: kernel.3.cloned.1.call-start
scs
__scs_entry_jumppad:
0x0: {  	(pc) =	sbr.rel $0x88, $3  }
0x1: {  	(tag) =	ssettag $0x0;
	lr =	simm.s32 $0x1  }
0x2: {  	[smem:$0x3F9E] =	sst lr;
	_ =	strace $0xD0000000  }
0x3: {  	_ = 	snop  }
0x4: {  	_ = 	snop  }
0x5: {  	_ = 	snop  }
0x6: {  	_ = 	snop  }
0x7: {  	_ = 	snop  }
__scs_overlays_trampoline_lowered:
0x8: {  	[smem:$0x3FAD] =	sst s0  }
0x9: {  	[smem:$0x3FAE] =	sst s1  }
0xa: {  	[smem:$0x3FAF] =	sst s2  }
0xb: {  	[smem:$0x3FB0] =	sst s3  }
0xc: {  	[smem:$0x3FB1] =	sst s4  }
0xd: {  	[smem:$0x3FB2] =	sst s5  }
0xe: {  	[smem:$0x3FB3] =	sst s6  }
0xf: {  	[smem:$0x3FB4] =	sst s7  }
0x10: {  	[smem:$0x3FB5] =	sst s8  }
0x11: {  	[smem:$0x3FB6] =	sst s9;
	s0 =	simm.s32 @!p0 $0x0  }
0x12: {  	s1 =	sld [smem:$0x3F9C];
	s0 =	simm.s32 @p0 $0x1  }
0x13: {  	[smem:$0x3FB7] =	sst s0;
	s0 =	simm.s32 @!p1 $0x0  }
0x14: {  	s2 =	sld [smem:$0x3F9B];
	s0 =	simm.s32 @p1 $0x1  }
0x15: {  	[smem:$0x3FB8] =	sst s0;
	s0 =	simm.s32 @!p2 $0x0  }
0x16: {  	s3 =	sld [smem:$0x3FDB];
	s0 =	simm.s32 @p2 $0x1  }
0x17: {  	s4 =	simm.s32 $0x1BF5;
	[smem:$0x3FBA] =	sst s0  }
0x18: {  	s0 =	sld [smem:$0x3F9D];
	_ =	swait.ge [sflag:s4], $0x0  }
0x19: {  	s7 =	sld [smem:$0x3F9E]  }
0x1a: {  	s8 =	sadd.s32 $0xFFFFE003, lr  }
0x1b: {  	s9 =	sadd.s32 $0xFFFFFEF7, lr;
	s5 =	simm.s32 $0xFFFFFFFF;
	p2 =	slt.u32 s8, $0xFFFFF086  }
0x1c: {  	p1 =	slt.u32 s9, $0xF7A;
	s5 =	simm.s32 @!p2 $0x0  }
0x1d: {  	s5 =	simm.s32 @p1 $0x1;
	p0 =	seq.s32 s7, s2  }
0x1e: {  	s7 =	smul.u32 @!p0 $0xF7A, s2;
	p2 =	seq.s32 @!p0 s5, $0x0  }
0x1f: {  	s9 =	smul.u32 $0xF7A, s1;
	s8 =	simm.s32 @!p0 $0x1BF5;
	p2 =	por !p2, p0  }
0x20: {  	[sflag:s8] =	ssyncset.s32 @!p0 $0xFFFFF086;
	s6 =	sadd.s32 @!p0 s3, s7;
	s7 =	simm.s32 @!p0 $0x108  }
0x21: {  	s3 =	sadd.s32 s3, s9;
	s6 =	sadd.s32 @!p0 $0x88, s6;
	s7 =	simm.s32 @p2 $0x1082  }
0x22: {  	[simem:s7], [sflag:s8] =	dma.local @!p0 [hbm:s6], $0xF7A  }
0x23: {  	s9 =	sor.u32 $0xD0000000, s2;
	s6 =	simm.s32 $0x108;
	_ =	swait.ge @!p0 [sflag:s8], $0x0  }
0x24: {  	s3 =	sadd.s32 $0x88, s3;
	s6 =	simm.s32 @!p1 $0x1082;
	[sflag:s4] =	ssyncset.s32 $0xFFFFF086  }
0x25: {  	[simem:s6], [sflag:s4] =	dma.local [hbm:s3], $0xF7A  }
0x26: {  	[smem:$0x3F9E] =	sst s1;
	(tag) =	ssettag s2;
	_ =	strace s9  }
0x27: {  	s1 =	sld [smem:$0x3FAE]  }
0x28: {  	s2 =	sld [smem:$0x3FAF]  }
0x29: {  	s4 =	sld [smem:$0x3FB1]  }
0x2a: {  	p0 =	seq.s32 s5, $0x0;
	s5 =	sld [smem:$0x3FB2]  }
0x2b: {  	s6 =	sld [smem:$0x3FB3]  }
0x2c: {  	s7 =	sld [smem:$0x3FB4]  }
0x2d: {  	s3 =	simm.s32 $0x108;
	s8 =	sld [smem:$0x3FB5]  }
0x2e: {  	s3 =	simm.s32 @!p0 $0x1082;
	s9 =	sld [smem:$0x3FB6]  }
0x2f: {  	lr =	sadd.s32 s0, s3;
	s0 =	sld [smem:$0x3FAD]  }
0x30: {  	s3 =	sld [smem:$0x3FB0]  }
0x31: {  	[smem:$0x3FB9] =	sst s10  }
0x32: {  	s10 =	sld [smem:$0x3FB7];
	_ =	sdelay $0x3  }
0x33: {  	p0 =	seq.s32 s10, $0x1;
	s10 =	sld [smem:$0x3FB9];
	_ =	sdelay $0x3  }
0x34: {  	[smem:$0x3FB9] =	sst s10  }
0x35: {  	s10 =	sld [smem:$0x3FB8];
	_ =	sdelay $0x3  }
0x36: {  	p1 =	seq.s32 s10, $0x1;
	s10 =	sld [smem:$0x3FB9];
	_ =	sdelay $0x3  }
0x37: {  	[smem:$0x3FB9] =	sst s10  }
0x38: {  	s10 =	sld [smem:$0x3FBA]  }
0x39: {  	_ = 	snop;
	(pc) =	sbr.ind lr, $3  }
0x3a: {  	_ = 	snop  }
0x3b: {  	_ = 	snop  }
0x3c: {  	p2 =	seq.s32 s10, $0x1;
	s10 =	sld [smem:$0x3FB9]  }
0x3d: {  	_ =	shalt  }
0x3e: {  	_ =	shalt  }
0x3f: {  	_ =	shalt  }
0x40: {  	_ =	shalt  }
0x41: {  	_ =	shalt  }
0x42: {  	_ =	shalt  }
0x43: {  	_ =	shalt  }
0x44: {  	_ =	shalt  }
0x45: {  	_ =	shalt  }
0x46: {  	_ =	shalt  }
0x47: {  	_ =	shalt  }
0x48: {  	_ =	shalt  }
0x49: {  	_ =	shalt  }
0x4a: {  	_ =	shalt  }
0x4b: {  	_ =	shalt  }
0x4c: {  	_ =	shalt  }
0x4d: {  	_ =	shalt  }
0x4e: {  	_ =	shalt  }
0x4f: {  	_ =	shalt  }
0x50: {  	_ =	shalt  }
0x51: {  	_ =	shalt  }
0x52: {  	_ =	shalt  }
0x53: {  	_ =	shalt  }
0x54: {  	_ =	shalt  }
0x55: {  	_ =	shalt  }
0x56: {  	_ =	shalt  }
0x57: {  	_ =	shalt  }
0x58: {  	_ =	shalt  }
0x59: {  	_ =	shalt  }
0x5a: {  	_ =	shalt  }
0x5b: {  	_ =	shalt  }
0x5c: {  	_ =	shalt  }
0x5d: {  	_ =	shalt  }
0x5e: {  	_ =	shalt  }
0x5f: {  	_ =	shalt  }
0x60: {  	_ =	shalt  }
0x61: {  	_ =	shalt  }
0x62: {  	_ =	shalt  }
0x63: {  	_ =	shalt  }
0x64: {  	_ =	shalt  }
0x65: {  	_ =	shalt  }
0x66: {  	_ =	shalt  }
0x67: {  	_ =	shalt  }
0x68: {  	_ =	shalt  }
0x69: {  	_ =	shalt  }
0x6a: {  	_ =	shalt  }
0x6b: {  	_ =	shalt  }
0x6c: {  	_ =	shalt  }
0x6d: {  	_ =	shalt  }
0x6e: {  	_ =	shalt  }
0x6f: {  	_ =	shalt  }
0x70: {  	_ =	shalt  }
0x71: {  	_ =	shalt  }
0x72: {  	_ =	shalt  }
0x73: {  	_ =	shalt  }
0x74: {  	_ =	shalt  }
0x75: {  	_ =	shalt  }
0x76: {  	_ =	shalt  }
0x77: {  	_ =	shalt  }
0x78: {  	_ =	shalt  }
0x79: {  	_ =	shalt  }
0x7a: {  	_ =	shalt  }
0x7b: {  	_ =	shalt  }
0x7c: {  	_ =	shalt  }
0x7d: {  	_ =	shalt  }
0x7e: {  	_ =	shalt  }
0x7f: {  	_ =	shalt  }
0x80: {  	_ =	shalt  }
0x81: {  	_ =	shalt  }
0x82: {  	_ =	shalt  }
0x83: {  	_ =	shalt  }
0x84: {  	_ =	shalt  }
0x85: {  	_ =	shalt  }
0x86: {  	_ =	shalt  }
0x87: {  	_ =	shalt  }
.Lfunc_end0:
.L_simem_size_0:
called_computation_lowered:
.L_overlay_start_0:
0x88: {  	s2 =	sld [smem:$0x3FD9]  }
0x89: {  	s3 =	sld [smem:$0x3FFE];
	_ =	sdelay $0x1  }
0x8a: {  	s1 =	srdreg.scid  }
0x8b: {  	s0 =	sand.u32 $0x1, s1  }
0x8c: {  	s17 =	sshll.u32 s0, $0xA;
	s2 =	sadd.s32 s3, s2  }
0x8d: {  	s2 =	sadd.s32 s2, s17  }
0x8e: {  	[smem:$0x3FC5] =	sst s2  }
0x8f: {  	_ = 	snop  }
0x90: {  	s2 =	sld [smem:$0x3FD0];
	(tm) =	ssettm $0x1  }
0x91: {  	s18 =	sld [smem:$0x3FFB];
	_ =	sdelay $0x3  }
0x92: {  	_ =	strace s18  }
0x93: {  	s3 =	sld [smem:$0x3FFC];
	_ =	sdelay $0x3  }
0x94: {  	_ =	strace s3  }
0x95: {  	s3 =	sld [smem:$0x3FFD];
	_ =	sdelay $0x3  }
0x96: {  	_ =	strace s3  }
0x97: {  	_ =	strace $0x8FFFFFFF  }
0x98: {  	s19 =	sld [smem:$0x3FDB];
	_ =	sdelay $0x1  }
0x99: {  	s4 =	simm.s32 $_scs_section_size  }
0x9a: {  	s5 =	simm.s32 $_size__tile_overlayer_lowered;
	s6 =	simm.s32 $_tile_overlayer_lowered  }
0x9b: {  	s22 =	simm.s32 $0x1BFF;
	s21 =	sshll.u32 s6, $0x1;
	s3 =	sadd.s32 s4, s19  }
0x9c: {  	s7 =	simm.s32 $0x0;
	s20 =	sshll.u32 s5, $0x1;
	s5 =	sadd.s32 s21, s3  }
0x9d: {  	[timem:s7], [sflag:s22] =	dma.local [hbm:s5], s20  }
0x9e: {  	_ =	swait.ge [sflag:s22], s20  }
0x9f: {  	s4 =	ssub.s32 $0x0, s20;
	[sflag:s22] =	ssyncset.done $0x0  }
0xa0: {  	[sflag:s22] =	ssyncadd.s32 s4;
	_ =	sdelay $0x1  }
0xa1: {  	s23 =	simm.s32 $0x1B8B  }
0xa2: {  	_ =	swait.ge [sflag:s23], $0x1  }
0xa3: {  	[sflag:s23] =	ssyncset.done $0x0  }
0xa4: {  	s25 =	simm.s32 $0x1B8E;
	s24 =	sld [smem:$0x3FFE];
	[sflag:s23] =	ssyncadd.s32 $0xFFFFFFFF  }
0xa5: {  	s26 =	simm.s32 $execute0_lowered;
	[smem:$0x3FD2] =	sst s25  }
0xa6: {  	s5 =	sshll.u32 s26, $0x1;
	_ =	strace $0x80000046;
	[dreg:$0x1] =	wrdreg $0xFFFFFFFF  }
0xa7: {  	s28 =	simm.s32 $_size_execute0_lowered;
	s3 =	sadd.s32 s3, s5;
	[dreg:$0x0] =	wrdreg $0x0  }
0xa8: {  	s5 =	sshll.u32 s28, $0x1;
	[dreg:$0x2] =	wrdreg s3  }
0xa9: {  	[dreg:$0x3] =	wrdreg s5  }
0xaa: {  	[dreg:$0x4] =	wrdreg $0xC0  }
0xab: {  	_ =	task [dreg:s7], $0x5FFFF  }
0xac: {  	[dreg:$0x1] =	wrdreg $0xFFFFFFFF  }
0xad: {  	[dreg:$0x0] =	wrdreg $0x60  }
0xae: {  	[dreg:$0x2] =	wrdreg s24  }
0xaf: {  	[dreg:$0x3] =	wrdreg s2  }
0xb0: {  	[dreg:$0x4] =	wrdreg $0xF6000  }
0xb1: {  	[dreg:$0x5] =	wrdreg $0x107000  }
0xb2: {  	[dreg:$0x6] =	wrdreg $0x9  }
0xb3: {  	_ =	task.clear_ibuf [dreg:s7], $0x7FFFF;
	_ =	strace $0x90000046  }
0xb4: {  	s29 =	simm.s32 $0x9;
	_ =	strace $0x80000048  }
0xb5: {  	_ =	swait.ge [sflag:s29], $0x1  }
0xb6: {  	[sflag:s29] =	ssyncadd.s32 $0xFFFFFFFF  }
0xb7: {  	_ =	strace $0x90000048  }
0xb8: {  	_ =	sfence  }
0xb9: {  	s30 =	sld [smem:$0x0];
	_ =	sdelay $0x2  }
0xba: {  	s31 =	sshll.u32 s1, $0xD;
	s1 =	sshrl.u32 s1, $0x2  }
0xbb: {  	s3 =	sand.u32 $0x4000, s31;
	s1 =	sadd.s32 s1, s30  }
0xbc: {  	s0 =	sor.u32 s3, s0;
	s1 =	sshll.u32 s1, $0x11  }
0xbd: {  	s0 =	sor.u32 s1, s0  }
0xbe: {  	s0 =	sadd.s32 $0x8F2B, s0  }
0xbf: {  	[sflag:s0] =	ssyncadd.remote.s32 $0x1  }
0xc0: {  	_ =	sfence.sel $0xFFFF  }
0xc1: {  	[dreg:$0x0] =	wrdreg $0xFFFFFFFF;
	(pc) =	sbr.abs _section_cstart, $3  }
0xc2: {  	[dreg:$0x1] =	wrdreg $0xFFFFFFFF  }
0xc3: {  	_ =	task.clear_ibuf [dreg:s7], $0x2FFFF;
	_ =	strace $0x9FFFFFFF  }
0xc4: {  	(tm) =	ssettm $0x7FFFFFFF  }
0xc5: {  	_ =	shalt  }
tec
execute0_lowered:
.L_overlay_start_1:
0x0: {  	(tag) =	ssettag $0x1  }
0x1: {  	s0 =	rddreg [dreg:$0x0]  }
0x2: {  	s1 =	rddreg [dreg:$0x1]  }
0x3: {  	s2 =	rddreg [dreg:$0x2]  }
0x4: {  	s6 =	rddreg [dreg:$0x3]  }
0x5: {  	s3 =	simm.s32 $0x0;
	s4 =	srdreg.scid;
	s13 =	stileid.u32  }
0x6: {  	[smem:$0x7FF] =	sst s3;
	s3 =	sadd.s32 $0x800, s0;
	s9 =	smul.u32 $0x88, s13  }
0x7: {  	s7 =	sand.u32 $0x1, s4;
	s4 =	sadd.s32 $0x19800, s0;
	s12 =	smul.u32 $0x4400, s13  }
0x8: {  	s11 =	sshll.u32 s13, $0x1;
	s5 =	sadd.s32 $0xF42C00, s0;
	s19 =	smul.u32 $0x2200, s13  }
0x9: {  	s13 =	simm.s32 $0x7;
	_ =	strace $0x80000047;
	s8 =	ssub.s32 $0x2, s7  }
0xa: {  	s14 =	sor.u32 s7, s11;
	s11 =	simm.s32 $0x4;
	s10 =	sshrl.u32 s8, $0x1  }
0xb: {  	s16 =	sadd.s32 $0x80, s9;
	s18 =	sshrl.u32 s12, $0x2;
	s7 =	smul.u32 $0x6400, s14  }
0xc: {  	s21 =	sshrl.u32 s19, $0x2;
	s31 =	sshll.u32 s14, $0x9;
	s14 =	simm.s32 $0x5  }
0xd: {  	s10 =	ssub.s32 s8, s10;
	s15 =	sadd.s32 s18, s2;
	s20 =	sshll.u32 s16, $0x5  }
0xe: {  	s22 =	sshll.u32 s16, $0x4;
	s12 =	sadd.s32 s21, s6;
	s1 =	sadd.s32 s1, s31  }
0xf: {  	s8 =	simm.s32 $0x800;
	v1 =	vmov s16;
	s16 =	simm.s32 $0x8;
	s21 =	simm.s32 $0xA  }
0x10: {  	s2 =	sadd.s32 s20, s2;
	s23 =	sadd.s32 s22, s6;
	[dreg:$0xf] =	wrdreg s1  }
0x11: {  	s24 =	sshrl.u32 s7, $0x3;
	s17 =	sadd.s32 $0xA00, s7;
	[dreg:$0x5] =	wrdreg s15  }
0x12: {  	s18 =	sadd.s32 $0xC00, s7;
	s19 =	sadd.s32 $0xE00, s7;
	[dreg:$0x7] =	wrdreg s12  }
0x13: {  	s0 =	smax.u32 s10, $0x1;
	s22 =	simm.s32 $0xDE00;
	[dreg:$0x6] =	wrdreg s2  }
0x14: {  	s20 =	simm.s32 $0x9;
	[dreg:$0x8] =	wrdreg s23;
	s25 =	sadd.s32 s3, s24  }
0x15: {  	s26 =	sadd.s32 s4, s24;
	s28 =	sor.u32 $0x40, s24;
	[dreg:$0x10] =	wrdreg s0  }
0x16: {  	s2 =	sadd.s32 $0x80, s24;
	s23 =	simm.s32 $0xB;
	[dreg:$0x9] =	wrdreg s25  }
0x17: {  	s24 =	simm.s32 $0xEE00;
	[dreg:$0xa] =	wrdreg s26;
	s29 =	sadd.s32 s3, s28  }
0x18: {  	s0 =	simm.s32 $0x6;
	s6 =	sadd.s32 s4, s28;
	[dreg:$0xb] =	wrdreg s29  }
0x19: {  	s30 =	sadd.s32 s3, s2;
	s2 =	sadd.s32 s4, s2;
	[dreg:$0xc] =	wrdreg s6  }
0x1a: {  	v4 =	vlaneseq.u32;
	v2 =	vimm.f32 $0.0e+00;
	s25 =	simm.s32 $0x3;
	s26 =	simm.s32 $0x200;
	[dreg:$0xd] =	wrdreg s30  }
0x1b: {  	v3 =	vimm.f32 $1.000000000e+00;
	v4 =	vmul.u32 $0xA3D8, v4;
	v0 =	vmov s9;
	[dreg:$0xe] =	wrdreg s2;
	s2 =	simm.s32 $0x600;
	s6 =	simm.s32 $0x0  }
.LBB2_1:
0x1c: {  	[dreg:$0x11] =	wrdreg s6;
	s1 =	simm.s32 $0xDE10;
	s6 =	simm.s32 $0x0  }
.LBB2_2:
0x1d: {  	p0 =	sne.s32 s6, $0x1FC0  }
.Ltmp0:
0x1e: {  	_ = 	snop;
	(pc) =	sbr.rel @p0 .LBB2_2-.Ltmp0, $4  }
0x1f: {  	_ = 	snop  }
0x20: {  	[tilespmem:s1+$0xFFFFFFF0] =	vst v2  }
0x21: {  	[tilespmem:s1+$0x0] =	vst v2;
	s9 =	sshra.s32 s6, $0x2  }
0x22: {  	s1 =	sadd.s32 $0x20, s1;
	s6 =	sadd.s32 $0x40, s6;
	[tilespmem:s9+$0xEE00] =	vst v2  }
0x23: {  	s1 =	simm.s32 $0x40;
	s6 =	simm.s32 $0x0  }
.LBB2_4:
0x24: {  	p0 =	sne.s32 s1, $0x7FC0;
	[tilespmem:s6+$0xBE00] =	vst v3;
	s6 =	smov.u32 s1;
	s1 =	sadd.s32 $0x40, s1  }
.Ltmp1:
0x25: {  	(pc) =	sbr.rel @p0 .LBB2_4-.Ltmp1, $2  }
0x26: {  	_ =	sdelay $0x2  }
0x27: {  	s6 =	sshra.s32 s6, $0x2  }
0x28: {  	[tilespmem:s6+$0xBE00] =	vst v3  }
0x29: {  	[spmem:s15] =	stream.linear.scatter [tilespmem:s22], [sflag:$0xB], $0x1000, $0x38;
	[tilespmem:$0x10F80] =	vst v63  }
0x2a: {  	_ =	swait.ge [sflag:s23], $0x1000  }
0x2b: {  	[sflag:s23] =	ssyncset.done $0x0  }
0x2c: {  	s1 =	rddreg [dreg:$0x6];
	[sflag:s23] =	ssyncadd.s32 $0xFFFFF000  }
0x2d: {  	[spmem:s1] =	stream.linear.scatter [tilespmem:s22], [sflag:$0xB], $0x100, $0x38;
	[tilespmem:$0x10F80] =	vst v63  }
0x2e: {  	_ =	swait.ge [sflag:s23], $0x100  }
0x2f: {  	[sflag:s23] =	ssyncset.done $0x0  }
0x30: {  	[sflag:s23] =	ssyncadd.s32 $0xFFFFFF00  }
0x31: {  	[spmem:s12] =	stream.linear.scatter [tilespmem:s24], [sflag:$0xB], $0x800, $0x38;
	[tilespmem:$0x10F80] =	vst v63  }
0x32: {  	_ =	swait.ge [sflag:s23], $0x800  }
0x33: {  	[sflag:s23] =	ssyncset.done $0x0  }
0x34: {  	s22 =	rddreg [dreg:$0x8];
	[sflag:s23] =	ssyncadd.s32 $0xFFFFF800  }
0x35: {  	[spmem:s22] =	stream.linear.scatter [tilespmem:s24], [sflag:$0xB], $0x80, $0x38;
	[tilespmem:$0x10F80] =	vst v63  }
0x36: {  	_ =	swait.ge [sflag:s23], $0x80  }
0x37: {  	[sflag:s23] =	ssyncset.done $0x0  }
0x38: {  	s6 =	simm.s32 $0x0;
	[sflag:s23] =	ssyncadd.s32 $0xFFFFFF80;
	s23 =	rddreg [dreg:$0x9]  }
0x39: {  	[tilespmem:s6], [sflag:$0x1] =	stream.linear.gather [hbm4b:s23+s6], $0x200, $0x38;
	[tilespmem:$0x10F80] =	vst v63  }
0x3a: {  	s9 =	simm.s32 $0xA00;
	s24 =	rddreg [dreg:$0xa]  }
0x3b: {  	[tilespmem:s9], [sflag:$0x1] =	stream.linear.gather [hbm4b:s24+s6], $0x200, $0x38;
	[tilespmem:$0x10F80] =	vst v63  }
0x3c: {  	s28 =	rddreg [dreg:$0xb];
	s9 =	simm.s32 $0x200  }
0x3d: {  	[tilespmem:s9], [sflag:$0x2] =	stream.linear.gather [hbm4b:s28+s6], $0x200, $0x38;
	[tilespmem:$0x10F80] =	vst v63  }
0x3e: {  	s10 =	simm.s32 $0xC00;
	s30 =	rddreg [dreg:$0xc]  }
0x3f: {  	[tilespmem:s10], [sflag:$0x2] =	stream.linear.gather [hbm4b:s30+s6], $0x200, $0x38;
	[tilespmem:$0x10F80] =	vst v63  }
0x40: {  	s22 =	simm.s32 $0x400;
	s10 =	rddreg [dreg:$0xd]  }
0x41: {  	[tilespmem:s22], [sflag:$0x3] =	stream.linear.gather [hbm4b:s10+s6], $0x200, $0x38;
	[tilespmem:$0x10F80] =	vst v63  }
0x42: {  	s15 =	simm.s32 $0xE00;
	s12 =	rddreg [dreg:$0xe];
	s23 =	simm.s32 $0x1  }
0x43: {  	[tilespmem:s15], [sflag:$0x3] =	stream.linear.gather [hbm4b:s12+s6], $0x200, $0x38;
	[tilespmem:$0x10F80] =	vst v63  }
0x44: {  	_ =	swait.ge [sflag:s23], $0x200  }
0x45: {  	[sflag:s23] =	ssyncset.done $0x0  }
0x46: {  	[sflag:s23] =	ssyncadd.s32 $0xFFFFFE00  }
0x47: {  	_ =	swait.ge [sflag:s23], $0x200  }
0x48: {  	[sflag:s23] =	ssyncset.done $0x0  }
0x49: {  	s24 =	simm.s32 $0x1400;
	s28 =	simm.s32 $0x2;
	[sflag:s23] =	ssyncadd.s32 $0xFFFFFE00  }
0x4a: {  	[tilespmem:s24], [sflag:$0x6] =	stream.indirect.gather [hbm4b:s5+s9], $0x10, s6, s9, $0xb8;
	[tilespmem:$0x10F80] =	vst v63  }
0x4b: {  	_ =	swait.ge [sflag:s28], $0x200  }
0x4c: {  	[sflag:s28] =	ssyncset.done $0x0  }
0x4d: {  	[sflag:s28] =	ssyncadd.s32 $0xFFFFFE00  }
0x4e: {  	s29 =	simm.s32 $0x600;
	_ =	swait.ge [sflag:s28], $0x200  }
0x4f: {  	s31 =	simm.s32 $0x800;
	s30 =	simm.s32 $0x3400;
	[sflag:s28] =	ssyncset.done $0x0  }
0x50: {  	s23 =	simm.s32 $0x0;
	s24 =	simm.s32 $0x0;
	[sflag:s28] =	ssyncadd.s32 $0xFFFFFE00  }
0x51: {  	[tilespmem:s30], [sflag:$0x7] =	stream.indirect.gather [hbm4b:s5+s9], $0x10, s9, s9, $0xb8;
	[tilespmem:$0x10F80] =	vst v63  }
.LBB2_6:
0x52: {  	s1 =	smul.u32 $0xA00, s23;
	_ =	sdelay $0x1  }
0x53: {  	s10 =	sadd.s32 s7, s1  }
0x54: {  	s28 =	sshrl.u32 s10, $0x3  }
0x55: {  	s10 =	sadd.s32 $0xC0, s28  }
0x56: {  	s12 =	sadd.s32 s3, s10  }
0x57: {  	[tilespmem:s2], [sflag:$0x4] =	stream.linear.gather [hbm4b:s12+s6], $0x200, $0x38;
	[tilespmem:$0x10F80] =	vst v63  }
0x58: {  	s15 =	simm.s32 $0x1000;
	s10 =	sadd.s32 s4, s10  }
0x59: {  	[tilespmem:s15], [sflag:$0x4] =	stream.linear.gather [hbm4b:s10+s6], $0x200, $0x38;
	[tilespmem:$0x10F80] =	vst v63  }
0x5a: {  	_ =	swait.ge [sflag:s25], $0x200  }
0x5b: {  	[sflag:s25] =	ssyncset.done $0x0  }
0x5c: {  	[sflag:s25] =	ssyncadd.s32 $0xFFFFFE00  }
0x5d: {  	_ =	swait.ge [sflag:s25], $0x200  }
0x5e: {  	[sflag:s25] =	ssyncset.done $0x0  }
0x5f: {  	s12 =	simm.s32 $0x400;
	s15 =	simm.s32 $0x5400;
	[sflag:s25] =	ssyncadd.s32 $0xFFFFFE00  }
0x60: {  	[tilespmem:s15], [sflag:$0x8] =	stream.indirect.gather [hbm4b:s5+s26], $0x10, s12, s26, $0xb8;
	[tilespmem:$0x10F80] =	vst v63  }
0x61: {  	v5 =	vmov s24;
	_ =	swait.ge [sflag:s0], $0x2000  }
0x62: {  	v5 =	vmul.u32 $0xA3D8, v5;
	[sflag:s0] =	ssyncset.done $0x0  }
0x63: {  	s30 =	simm.s32 $0x0;
	[sflag:s0] =	ssyncadd.s32 $0xFFFFE000  }
0x64: {  	v6 =	vbroadcast v5, $0x0;
	v5 =	vld [tilespmem:s30+$0xA00];
	_ =	sdelay $0x2  }
0x65: {  	v6 =	vadd.s32 v4, v6;
	s10 =	simm.s32 $0x40;
	s12 =	sadd.s32 $0x10, s24  }
.LBB2_7:
0x66: {  	v7 =	vmov s12;
	p0 =	sne.s32 s10, $0x7C0;
	v6 =	vshra.s32 v6, $0x17;
	s15 =	smov.u32 s10;
	s10 =	sadd.s32 $0x40, s10  }
.Ltmp2:
0x67: {  	s15 =	sshra.s32 s15, $0x2;
	v7 =	vmul.u32 $0xA3D8, v7;
	vm0 =	vgt.s32 v5, $0x0;
	v6 =	vadd.s32 v0, v6;
	(pc) =	sbr.rel @p0 .LBB2_7-.Ltmp2, $3  }
0x68: {  	v5 =	vld [tilespmem:s15+$0xA00];
	v6 =	vsel vm0, v6, v1  }
0x69: {  	v7 =	vbroadcast v7, $0x0;
	[tilespmem:s30+$0xB400] =	vst v6;
	s30 =	smov.u32 s15;
	_ =	sdelay $0x1  }
0x6a: {  	s12 =	sadd.s32 $0x10, s12;
	v6 =	vadd.s32 v4, v7  }
0x6b: {  	v6 =	vshra.s32 v6, $0x17  }
0x6c: {  	vm0 =	vgt.s32 v5, $0x0;
	v5 =	vadd.s32 v0, v6  }
0x6d: {  	s10 =	sadd.s32 $0x100, s28;
	v5 =	vsel vm0, v5, v1  }
0x6e: {  	s15 =	simm.s32 $0x0;
	s12 =	sadd.s32 s3, s10;
	[tilespmem:s30+$0xB400] =	vst v5  }
0x6f: {  	[tilespmem:s8], [sflag:$0x5] =	stream.linear.gather [hbm4b:s12+s15], $0x200, $0x38;
	[tilespmem:$0x10F80] =	vst v63  }
0x70: {  	s10 =	sadd.s32 s4, s10;
	s30 =	simm.s32 $0x1200  }
0x71: {  	[tilespmem:s30], [sflag:$0x5] =	stream.linear.gather [hbm4b:s10+s15], $0x200, $0x38;
	[tilespmem:$0x10F80] =	vst v63  }
0x72: {  	_ =	swait.ge [sflag:s11], $0x200  }
0x73: {  	[sflag:s11] =	ssyncset.done $0x0  }
0x74: {  	[sflag:s11] =	ssyncadd.s32 $0xFFFFFE00  }
0x75: {  	_ =	swait.ge [sflag:s11], $0x200  }
0x76: {  	[sflag:s11] =	ssyncset.done $0x0  }
0x77: {  	s30 =	simm.s32 $0x7400;
	[sflag:s11] =	ssyncadd.s32 $0xFFFFFE00  }
0x78: {  	[tilespmem:s30], [sflag:$0x9] =	stream.indirect.gather [hbm4b:s5+s26], $0x10, s2, s26, $0xb8;
	[tilespmem:$0x10F80] =	vst v63  }
0x79: {  	v5 =	vmov s9;
	_ =	swait.ge [sflag:s13], $0x2000  }
0x7a: {  	v5 =	vmul.u32 $0xA3D8, v5;
	[sflag:s13] =	ssyncset.done $0x0  }
0x7b: {  	s28 =	simm.s32 $0x0;
	[sflag:s13] =	ssyncadd.s32 $0xFFFFE000  }
0x7c: {  	v6 =	vbroadcast v5, $0x0;
	v5 =	vld [tilespmem:s28+$0xC00];
	_ =	sdelay $0x2  }
0x7d: {  	s12 =	sadd.s32 $0x10, s9;
	s10 =	simm.s32 $0x40;
	v6 =	vadd.s32 v4, v6  }
.LBB2_9:
0x7e: {  	v7 =	vmov s12;
	p0 =	sne.s32 s10, $0x7C0;
	v6 =	vshra.s32 v6, $0x17;
	s15 =	smov.u32 s10;
	s10 =	sadd.s32 $0x40, s10  }
.Ltmp3:
0x7f: {  	s15 =	sshra.s32 s15, $0x2;
	v7 =	vmul.u32 $0xA3D8, v7;
	vm0 =	vgt.s32 v5, $0x0;
	v6 =	vadd.s32 v0, v6;
	(pc) =	sbr.rel @p0 .LBB2_9-.Ltmp3, $3  }
0x80: {  	v5 =	vld [tilespmem:s15+$0xC00];
	v6 =	vsel vm0, v6, v1  }
0x81: {  	v7 =	vbroadcast v7, $0x0;
	[tilespmem:s28+$0xB600] =	vst v6;
	s28 =	smov.u32 s15;
	_ =	sdelay $0x1  }
0x82: {  	s12 =	sadd.s32 $0x10, s12;
	v6 =	vadd.s32 v4, v7  }
0x83: {  	v6 =	vshra.s32 v6, $0x17;
	p0 =	seq.s32 s23, $0x9  }
0x84: {  	vm0 =	vgt.s32 v5, $0x0;
	v5 =	vadd.s32 v0, v6;
	s10 =	sadd.s32 @!p0 s1, s17  }
0x85: {  	v5 =	vsel vm0, v5, v1;
	s10 =	sshrl.u32 @!p0 s10, $0x3  }
0x86: {  	s15 =	simm.s32 @!p0 $0x0;
	[tilespmem:s28+$0xB600] =	vst v5;
	s12 =	sadd.s32 @!p0 s3, s10  }
0x87: {  	[tilespmem:s15], [sflag:$0x1] =	stream.linear.gather @!p0 [hbm4b:s12+s15], $0x200, $0x38;
	[tilespmem:$0x10F80] =	vst v63  }
0x88: {  	s10 =	sadd.s32 @!p0 s4, s10;
	s12 =	simm.s32 @!p0 $0xA00  }
0x89: {  	[tilespmem:s12], [sflag:$0x1] =	stream.linear.gather @!p0 [hbm4b:s10+s15], $0x200, $0x38;
	[tilespmem:$0x10F80] =	vst v63  }
0x8a: {  	_ =	swait.ge [sflag:s14], $0x200  }
0x8b: {  	[sflag:s14] =	ssyncset.done $0x0  }
0x8c: {  	[sflag:s14] =	ssyncadd.s32 $0xFFFFFE00  }
0x8d: {  	_ =	swait.ge [sflag:s14], $0x200  }
0x8e: {  	[sflag:s14] =	ssyncset.done $0x0  }
0x8f: {  	s30 =	simm.s32 $0x9400;
	[sflag:s14] =	ssyncadd.s32 $0xFFFFFE00  }
0x90: {  	[tilespmem:s30], [sflag:$0xA] =	stream.indirect.gather [hbm4b:s5+s26], $0x10, s8, s26, $0xb8;
	[tilespmem:$0x10F80] =	vst v63  }
0x91: {  	v5 =	vmov s22;
	_ =	swait.ge [sflag:s16], $0x2000  }
0x92: {  	v5 =	vmul.u32 $0xA3D8, v5;
	[sflag:s16] =	ssyncset.done $0x0  }
0x93: {  	s28 =	simm.s32 $0x0;
	[sflag:s16] =	ssyncadd.s32 $0xFFFFE000  }
0x94: {  	v6 =	vbroadcast v5, $0x0;
	v5 =	vld [tilespmem:s28+$0xE00];
	_ =	sdelay $0x2  }
0x95: {  	s10 =	simm.s32 $0x40;
	s12 =	sadd.s32 $0x10, s22;
	v6 =	vadd.s32 v4, v6  }
.LBB2_11:
0x96: {  	v7 =	vmov s12;
	p1 =	sne.s32 s10, $0x7C0;
	v6 =	vshra.s32 v6, $0x17;
	s15 =	smov.u32 s10;
	s10 =	sadd.s32 $0x40, s10  }
.Ltmp4:
0x97: {  	s15 =	sshra.s32 s15, $0x2;
	v7 =	vmul.u32 $0xA3D8, v7;
	vm0 =	vgt.s32 v5, $0x0;
	v6 =	vadd.s32 v0, v6;
	(pc) =	sbr.rel @p1 .LBB2_11-.Ltmp4, $3  }
0x98: {  	v5 =	vld [tilespmem:s15+$0xE00];
	v6 =	vsel vm0, v6, v1  }
0x99: {  	v7 =	vbroadcast v7, $0x0;
	[tilespmem:s28+$0xB800] =	vst v6;
	s28 =	smov.u32 s15;
	_ =	sdelay $0x1  }
0x9a: {  	s12 =	sadd.s32 $0x10, s12;
	v6 =	vadd.s32 v4, v7  }
0x9b: {  	v6 =	vshra.s32 v6, $0x17  }
0x9c: {  	s10 =	sadd.s32 @!p0 s1, s18;
	vm0 =	vgt.s32 v5, $0x0;
	v5 =	vadd.s32 v0, v6  }
0x9d: {  	s10 =	sshrl.u32 @!p0 s10, $0x3;
	v5 =	vsel vm0, v5, v1  }
0x9e: {  	s15 =	simm.s32 @!p0 $0x0;
	s12 =	sadd.s32 @!p0 s3, s10;
	[tilespmem:s28+$0xB800] =	vst v5;
	s28 =	simm.s32 @!p0 $0x200  }
0x9f: {  	[tilespmem:s28], [sflag:$0x2] =	stream.linear.gather @!p0 [hbm4b:s12+s15], $0x200, $0x38;
	[tilespmem:$0x10F80] =	vst v63  }
0xa0: {  	s10 =	sadd.s32 @!p0 s4, s10;
	s12 =	simm.s32 @!p0 $0xC00  }
0xa1: {  	[tilespmem:s12], [sflag:$0x2] =	stream.linear.gather @!p0 [hbm4b:s10+s15], $0x200, $0x38;
	[tilespmem:$0x10F80] =	vst v63  }
0xa2: {  	s10 =	simm.s32 @!p0 $0x1  }
0xa3: {  	_ =	swait.ge @!p0 [sflag:s10], $0x200  }
0xa4: {  	[sflag:s10] =	ssyncset.done @!p0 $0x0  }
0xa5: {  	[sflag:s10] =	ssyncadd.s32 @!p0 $0xFFFFFE00  }
0xa6: {  	_ =	swait.ge @!p0 [sflag:s10], $0x200  }
0xa7: {  	[sflag:s10] =	ssyncset.done @!p0 $0x0  }
0xa8: {  	[sflag:s10] =	ssyncadd.s32 @!p0 $0xFFFFFE00;
	s10 =	simm.s32 @!p0 $0x1400  }
0xa9: {  	[tilespmem:s10], [sflag:$0x6] =	stream.indirect.gather @!p0 [hbm4b:s5+s28], $0x10, s15, s28, $0xb8;
	[tilespmem:$0x10F80] =	vst v63  }
0xaa: {  	v5 =	vmov s29;
	_ =	swait.ge [sflag:s20], $0x2000  }
0xab: {  	v5 =	vmul.u32 $0xA3D8, v5;
	[sflag:s20] =	ssyncset.done $0x0  }
0xac: {  	s28 =	simm.s32 $0x0;
	[sflag:s20] =	ssyncadd.s32 $0xFFFFE000  }
0xad: {  	v6 =	vbroadcast v5, $0x0;
	v5 =	vld [tilespmem:s28+$0x1000];
	_ =	sdelay $0x2  }
0xae: {  	s12 =	sadd.s32 $0x10, s29;
	v6 =	vadd.s32 v4, v6;
	s10 =	simm.s32 $0x40  }
.LBB2_13:
0xaf: {  	v7 =	vmov s12;
	p1 =	sne.s32 s10, $0x7C0;
	v6 =	vshra.s32 v6, $0x17;
	s15 =	smov.u32 s10;
	s10 =	sadd.s32 $0x40, s10  }
.Ltmp5:
0xb0: {  	s15 =	sshra.s32 s15, $0x2;
	v7 =	vmul.u32 $0xA3D8, v7;
	vm0 =	vgt.s32 v5, $0x0;
	v6 =	vadd.s32 v0, v6;
	(pc) =	sbr.rel @p1 .LBB2_13-.Ltmp5, $3  }
0xb1: {  	v5 =	vld [tilespmem:s15+$0x1000];
	v6 =	vsel vm0, v6, v1  }
0xb2: {  	v7 =	vbroadcast v7, $0x0;
	[tilespmem:s28+$0xBA00] =	vst v6;
	s28 =	smov.u32 s15;
	_ =	sdelay $0x1  }
0xb3: {  	s12 =	sadd.s32 $0x10, s12;
	v6 =	vadd.s32 v4, v7  }
0xb4: {  	v6 =	vshra.s32 v6, $0x17  }
0xb5: {  	s1 =	sadd.s32 @!p0 s1, s19;
	vm0 =	vgt.s32 v5, $0x0;
	v5 =	vadd.s32 v0, v6  }
0xb6: {  	s1 =	sshrl.u32 @!p0 s1, $0x3;
	v5 =	vsel vm0, v5, v1  }
0xb7: {  	s12 =	simm.s32 @!p0 $0x0;
	s15 =	simm.s32 @!p0 $0x400;
	s10 =	sadd.s32 @!p0 s3, s1;
	[tilespmem:s28+$0xBA00] =	vst v5  }
0xb8: {  	[tilespmem:s15], [sflag:$0x3] =	stream.linear.gather @!p0 [hbm4b:s10+s12], $0x200, $0x38;
	[tilespmem:$0x10F80] =	vst v63  }
0xb9: {  	s1 =	sadd.s32 @!p0 s4, s1;
	s10 =	simm.s32 @!p0 $0xE00  }
0xba: {  	[tilespmem:s10], [sflag:$0x3] =	stream.linear.gather @!p0 [hbm4b:s1+s12], $0x200, $0x38;
	[tilespmem:$0x10F80] =	vst v63  }
0xbb: {  	s1 =	simm.s32 @!p0 $0x2  }
0xbc: {  	_ =	swait.ge @!p0 [sflag:s1], $0x200  }
0xbd: {  	[sflag:s1] =	ssyncset.done @!p0 $0x0  }
0xbe: {  	[sflag:s1] =	ssyncadd.s32 @!p0 $0xFFFFFE00  }
0xbf: {  	_ =	swait.ge @!p0 [sflag:s1], $0x200  }
0xc0: {  	[sflag:s1] =	ssyncset.done @!p0 $0x0  }
0xc1: {  	s10 =	simm.s32 @!p0 $0x3400;
	[sflag:s1] =	ssyncadd.s32 @!p0 $0xFFFFFE00;
	s1 =	simm.s32 @!p0 $0x200  }
0xc2: {  	[tilespmem:s10], [sflag:$0x7] =	stream.indirect.gather @!p0 [hbm4b:s5+s1], $0x10, s1, s1, $0xb8;
	[tilespmem:$0x10F80] =	vst v63  }
0xc3: {  	v5 =	vmov s31;
	_ =	swait.ge [sflag:s21], $0x2000  }
0xc4: {  	v5 =	vmul.u32 $0xA3D8, v5;
	[sflag:s21] =	ssyncset.done $0x0  }
0xc5: {  	s1 =	simm.s32 $0x0;
	[sflag:s21] =	ssyncadd.s32 $0xFFFFE000  }
0xc6: {  	v6 =	vbroadcast v5, $0x0;
	v5 =	vld [tilespmem:s1+$0x1200];
	_ =	sdelay $0x2  }
0xc7: {  	s12 =	sadd.s32 $0x10, s31;
	v6 =	vadd.s32 v4, v6;
	s10 =	simm.s32 $0x40  }
.LBB2_15:
0xc8: {  	v7 =	vmov s12;
	p0 =	sne.s32 s10, $0x7C0;
	v6 =	vshra.s32 v6, $0x17;
	s15 =	smov.u32 s10;
	s10 =	sadd.s32 $0x40, s10  }
.Ltmp6:
0xc9: {  	s15 =	sshra.s32 s15, $0x2;
	v7 =	vmul.u32 $0xA3D8, v7;
	vm0 =	vgt.s32 v5, $0x0;
	v6 =	vadd.s32 v0, v6;
	(pc) =	sbr.rel @p0 .LBB2_15-.Ltmp6, $3  }
0xca: {  	v5 =	vld [tilespmem:s15+$0x1200];
	v6 =	vsel vm0, v6, v1  }
0xcb: {  	v7 =	vbroadcast v7, $0x0;
	[tilespmem:s1+$0xBC00] =	vst v6;
	s1 =	smov.u32 s15;
	_ =	sdelay $0x1  }
0xcc: {  	s12 =	sadd.s32 $0x10, s12;
	v6 =	vadd.s32 v4, v7  }
0xcd: {  	s23 =	sadd.s32 $0x1, s23  }
0xce: {  	p0 =	sne.s32 s23, $0xA  }
.Ltmp7:
0xcf: {  	_ = 	snop;
	(pc) =	sbr.rel @p0 .LBB2_6-.Ltmp7, $4  }
0xd0: {  	v6 =	vshra.s32 v6, $0x17  }
0xd1: {  	vm0 =	vgt.s32 v5, $0x0;
	v5 =	vadd.s32 v0, v6  }
0xd2: {  	s24 =	sadd.s32 $0xA00, s24;
	s9 =	sadd.s32 $0xA00, s9;
	v5 =	vsel vm0, v5, v1  }
0xd3: {  	s22 =	sadd.s32 $0xA00, s22;
	s29 =	sadd.s32 $0xA00, s29;
	s31 =	sadd.s32 $0xA00, s31;
	[tilespmem:s1+$0xBC00] =	vst v5  }
0xd4: {  	s15 =	rddreg [dreg:$0x5];
	s22 =	simm.s32 $0xDE00;
	s23 =	simm.s32 $0xB  }
0xd5: {  	[tilespmem:s22], [sflag:$0xB] =	stream.linear.gather [spmem:s15], $0x1000, $0x38;
	[tilespmem:$0x10F80] =	vst v63  }
0xd6: {  	_ =	swait.ge [sflag:s23], $0x1000  }
0xd7: {  	[sflag:s23] =	ssyncset.done $0x0  }
0xd8: {  	s24 =	simm.s32 $0xEE00;
	s12 =	rddreg [dreg:$0x7];
	[sflag:s23] =	ssyncadd.s32 $0xFFFFF000  }
0xd9: {  	[tilespmem:s24], [sflag:$0xB] =	stream.linear.gather [spmem:s12], $0x800, $0x38;
	[tilespmem:$0x10F80] =	vst v63  }
0xda: {  	_ =	swait.ge [sflag:s23], $0x800  }
0xdb: {  	[sflag:s23] =	ssyncset.done $0x0  }
0xdc: {  	s1 =	simm.s32 $0x0;
	[sflag:s23] =	ssyncadd.s32 $0xFFFFF800  }
0xdd: {  	v5 =	vld [tilespmem:s1+$0xEE00];
	_ =	sdelay $0x4  }
0xde: {  	(erf) = vrcp.f32 v5;
	_ =	sdelay $0x3  }
0xdf: {  	s1 =	simm.s32 $0xDE10  }
0xe0: {  	v5 =	vld [tilespmem:s1+$0xFFFFFFF0]  }
0xe1: {  	v6 =	vld [tilespmem:s1+$0x0];
	_ =	sdelay $0x2  }
0xe2: {  	v7 =	vpop (erf)  }
0xe3: {  	v5 =	vmul.f32 v7, v5  }
0xe4: {  	v6 =	vmul.f32 v6, v7  }
0xe5: {  	[tilespmem:s1+$0xFFFFFFF0] =	vst v5  }
0xe6: {  	s9 =	simm.s32 $0x10;
	s6 =	simm.s32 $0x80;
	[tilespmem:s1+$0x0] =	vst v6  }
.LBB2_18:
0xe7: {  	p0 =	sne.s32 s6, $0x1FC0;
	v5 =	vld [tilespmem:s9+$0xEE00];
	_ =	sdelay $0x4  }
0xe8: {  	(erf) = vrcp.f32 v5;
	_ =	sdelay $0x2  }
0xe9: {  	s1 =	sadd.s32 $0x20, s1  }
0xea: {  	v5 =	vld [tilespmem:s1+$0xFFFFFFF0]  }
0xeb: {  	v6 =	vld [tilespmem:s1+$0x0];
	_ =	sdelay $0x3  }
.Ltmp8:
0xec: {  	v7 =	vpop (erf);
	(pc) =	sbr.rel @p0 .LBB2_18-.Ltmp8, $3  }
0xed: {  	v5 =	vmul.f32 v7, v5;
	v6 =	vmul.f32 v6, v7;
	_ =	sdelay $0x1  }
0xee: {  	[tilespmem:s1+$0xFFFFFFF0] =	vst v5  }
0xef: {  	s9 =	sshra.s32 s6, $0x2;
	s6 =	sadd.s32 $0x40, s6;
	[tilespmem:s1+$0x0] =	vst v6  }
0xf0: {  	v5 =	vld [tilespmem:s9+$0xEE00];
	_ =	sdelay $0x4  }
0xf1: {  	(erf) = vrcp.f32 v5;
	_ =	sdelay $0x3  }
0xf2: {  	s1 =	sadd.s32 $0x20, s1  }
0xf3: {  	v5 =	vld [tilespmem:s1+$0xFFFFFFF0]  }
0xf4: {  	v6 =	vld [tilespmem:s1+$0x0];
	_ =	sdelay $0x2  }
0xf5: {  	v7 =	vpop (erf)  }
0xf6: {  	v5 =	vmul.f32 v7, v5  }
0xf7: {  	v6 =	vmul.f32 v6, v7  }
0xf8: {  	[tilespmem:s1+$0xFFFFFFF0] =	vst v5  }
0xf9: {  	s29 =	simm.s32 $0x0;
	s6 =	rddreg [dreg:$0xf];
	[tilespmem:s1+$0x0] =	vst v6  }
0xfa: {  	[hbm4b:s6+s29] =	stream.linear.scatter [tilespmem:s22], [sflag:$0xB], $0x1000, $0x38;
	[tilespmem:$0x10F80] =	vst v63  }
0xfb: {  	_ =	swait.ge [sflag:s23], $0x1000  }
0xfc: {  	s30 =	rddreg [dreg:$0x11]  }
0xfd: {  	s31 =	rddreg [dreg:$0x10];
	s6 =	sadd.s32 $0x1, s30  }
0xfe: {  	p0 =	sne.s32 s6, s31  }
.Ltmp9:
0xff: {  	_ = 	snop;
	(pc) =	sbr.rel @p0 .LBB2_1-.Ltmp9, $3  }
0x100: {  	_ =	sdelay $0x1  }
0x101: {  	[sflag:s23] =	ssyncset.done $0x0  }
0x102: {  	[sflag:s23] =	ssyncadd.s32 $0xFFFFF000  }
0x103: {  	_ =	sfence.sel $0x180000  }
0x104: {  	[bflag:$0x0] =	sbarrier.arrive $0xFFFF  }
0x105: {  	_ =	strace $0x90000047  }
0x106: {  	s0 =	stileid.u32;
	[bflag:$0x2] =	sbarrier.arrive $0xFFFF  }
0x107: {  	p0 =	sne.s32 s0, $0x0;
	s0 =	rddreg [dreg:$0x4]  }
0x108: {  	s0 =	sadd.s32 @!p0 $0x100000, s0  }
0x109: {  	[sflag:s0] =	ssyncadd.tile.s32 @!p0 $0x1;
	_ =	shalt  }
.Lfunc_end2:
_tile_overlayer_lowered:
.L_overlay_start_2:
0x10a: {  	(tag) =	ssettag $0x2  }
0x10b: {  	s0 =	rddreg [dreg:$0x0];
	s2 =	stileid.u32  }
0x10c: {  	s1 =	rddreg [dreg:$0x1];
	p0 =	sne.s32 s2, $0x0  }
0x10d: {  	s3 =	rddreg [dreg:$0x2];
	[bflag:$0x3] =	sbarrier.arrive $0xFFFF;
	s2 =	simm.s32 @!p0 $0x1C0B  }
0x10e: {  	[timem:s3], [sflag:s2] =	dma.local @!p0 [hbm:s0], s1  }
0x10f: {  	s0 =	simm.s32 @!p0 $0xB  }
0x110: {  	_ =	swait.ge @!p0 [sflag:s0], s1  }
0x111: {  	s1 =	ssub.s32 @!p0 $0x0, s1;
	[sflag:s0] =	ssyncset.done @!p0 $0x0  }
0x112: {  	[sflag:s0] =	ssyncadd.s32 @!p0 s1  }
0x113: {  	[bflag:$0x3] =	sbarrier.arrive $0xFFFF  }
0x114: {  	_ =	shalt  }

</sc_bundles>
